<compile_context>
chip_gen: v7x
topology: tpu7x:2x2x1
jax: 0.10.2.dev20260603
libtpu: 0.0.44.dev20260713+nightly
codegen_flags: <defaults>
</compile_context>

<pallas_src>
import functools
import math

import jax
import jax.numpy as jnp
from jax import lax
from jax.experimental import pallas as pl
from jax.experimental.pallas import tpu as pltpu
from jax.experimental.pallas import tpu_sc as plsc

S = 2048
D = 1024
FF = 2048
E = 8
CAP = 384
TB = 512
FFC = FF // 2
NSLOT = E * CAP
BUF_ROWS = NSLOT + 8
NW = 32
TPW = S // NW


def _gelu_new(x):
    c = math.sqrt(2.0 / math.pi)
    return 0.5 * x * (1.0 + jnp.tanh(c * (x + 0.044715 * x * x * x)))


D2 = D // 2


def _pack2(lo, hi):
    lo_u = lax.bitcast_convert_type(lo.astype(jnp.bfloat16), jnp.uint16)
    hi_u = lax.bitcast_convert_type(hi.astype(jnp.bfloat16), jnp.uint16)
    return lo_u.astype(jnp.uint32) | (hi_u.astype(jnp.uint32) << 16)


def _unpack2(w):
    lo = lax.bitcast_convert_type((w & jnp.uint32(0xFFFF)).astype(jnp.uint16),
                                  jnp.bfloat16)
    hi = lax.bitcast_convert_type((w >> jnp.uint32(16)).astype(jnp.uint16),
                                  jnp.bfloat16)
    return lo, hi


def _router_body(x_ref, sc_ref, bi_ref, gw_ref,
                 norm_ref, log_ref, ei_ref, rp_ref, dst_ref, cnt_ref):
    i = pl.program_id(0)

    @pl.when(i == 0)
    def _():
        cnt_ref[...] = jnp.zeros_like(cnt_ref)

    xb = x_ref[...]
    mu = jnp.mean(xb, axis=-1, keepdims=True)
    var = jnp.var(xb, axis=-1, keepdims=True)
    nb = (xb - mu) / jnp.sqrt(var + 1e-5) * sc_ref[...] + bi_ref[...]
    norm_ref[...] = _pack2(nb[:, :D2], nb[:, D2:])

    logits = jnp.dot(nb, gw_ref[...], preferred_element_type=jnp.float32)
    log_ref[...] = logits
    probs = jax.nn.softmax(logits, axis=-1)
    ei = jnp.argmax(probs, axis=-1).astype(jnp.int32)
    ei_ref[...] = ei[:, None]
    rp_ref[...] = jnp.max(probs, axis=-1, keepdims=True)

    oh = (lax.broadcasted_iota(jnp.int32, (TB, E), 1) == ei[:, None])
    ohf = oh.astype(jnp.float32)
    row = lax.broadcasted_iota(jnp.int32, (TB, TB), 0)
    col = lax.broadcasted_iota(jnp.int32, (TB, TB), 1)
    tri = (row >= col).astype(jnp.bfloat16)
    prio = jnp.dot(tri, ohf.astype(jnp.bfloat16),
                   preferred_element_type=jnp.float32) + cnt_ref[...]
    cnt_ref[...] = prio[TB - 1:TB, :]
    psel = jnp.sum(prio * ohf, axis=-1, keepdims=True)
    kept = psel <= float(CAP)
    slot = ei[:, None] * CAP + psel.astype(jnp.int32) - 1
    dst_ref[...] = jnp.where(kept, slot, NSLOT)


def _stage_router(x, scale, bias, gw):
    return pl.pallas_call(
        _router_body,
        grid=(S // TB,),
        in_specs=[
            pl.BlockSpec((TB, D), lambda i: (i, 0)),
            pl.BlockSpec((1, D), lambda i: (0, 0)),
            pl.BlockSpec((1, D), lambda i: (0, 0)),
            pl.BlockSpec((D, E), lambda i: (0, 0)),
        ],
        out_specs=[
            pl.BlockSpec((TB, D2), lambda i: (i, 0)),
            pl.BlockSpec((TB, E), lambda i: (i, 0)),
            pl.BlockSpec((TB, 1), lambda i: (i, 0)),
            pl.BlockSpec((TB, 1), lambda i: (i, 0)),
            pl.BlockSpec((TB, 1), lambda i: (i, 0)),
        ],
        out_shape=(
            jax.ShapeDtypeStruct((S, D2), jnp.uint32),
            jax.ShapeDtypeStruct((S, E), jnp.float32),
            jax.ShapeDtypeStruct((S, 1), jnp.int32),
            jax.ShapeDtypeStruct((S, 1), jnp.float32),
            jax.ShapeDtypeStruct((S, 1), jnp.int32),
        ),
        scratch_shapes=[pltpu.VMEM((1, E), jnp.float32)],
    )(x, scale, bias, gw)


def _sc_mesh():
    return plsc.VectorSubcoreMesh(core_axis_name="c", subcore_axis_name="s")


def _sc_scatter(norm, dst):
    H = TPW // 2

    @functools.partial(
        pl.kernel, mesh=_sc_mesh(),
        out_type=jax.ShapeDtypeStruct((BUF_ROWS, D2), jnp.uint32),
        scratch_types=[
            pltpu.VMEM((2, H), jnp.int32),
            pltpu.VMEM((2, H, D2), jnp.uint32),
            pltpu.SemaphoreType.DMA,
            pltpu.SemaphoreType.DMA,
        ],
    )
    def k(norm_hbm, dst_hbm, buf_hbm, idx_v, rows_v, sem_a, sem_b):
        wid = lax.axis_index("s") * 2 + lax.axis_index("c")
        base = wid * TPW
        pltpu.sync_copy(dst_hbm.at[pl.ds(base, H)], idx_v.at[0])
        pltpu.sync_copy(dst_hbm.at[pl.ds(base + H, H)], idx_v.at[1])
        r0 = pltpu.async_copy(norm_hbm.at[pl.ds(base, H)], rows_v.at[0], sem_a)
        r1 = pltpu.async_copy(norm_hbm.at[pl.ds(base + H, H)], rows_v.at[1],
                              sem_b)
        r0.wait()
        s0 = pltpu.async_copy(rows_v.at[0], buf_hbm.at[idx_v.at[0]], sem_a)
        r1.wait()
        s1 = pltpu.async_copy(rows_v.at[1], buf_hbm.at[idx_v.at[1]], sem_b)
        s0.wait()
        s1.wait()

    return k(norm, dst)


def _sc_gather(buf2, dst):
    H = TPW // 2

    @functools.partial(
        pl.kernel, mesh=_sc_mesh(),
        out_type=jax.ShapeDtypeStruct((S, D2), jnp.uint32),
        scratch_types=[
            pltpu.VMEM((2, H), jnp.int32),
            pltpu.VMEM((2, H, D2), jnp.uint32),
            pltpu.SemaphoreType.DMA,
            pltpu.SemaphoreType.DMA,
        ],
    )
    def k(buf_hbm, dst_hbm, out_hbm, idx_v, rows_v, sem_a, sem_b):
        wid = lax.axis_index("s") * 2 + lax.axis_index("c")
        base = wid * TPW
        pltpu.sync_copy(dst_hbm.at[pl.ds(base, H)], idx_v.at[0])
        pltpu.sync_copy(dst_hbm.at[pl.ds(base + H, H)], idx_v.at[1])
        g0 = pltpu.async_copy(buf_hbm.at[idx_v.at[0]], rows_v.at[0], sem_a)
        g1 = pltpu.async_copy(buf_hbm.at[idx_v.at[1]], rows_v.at[1], sem_b)
        g0.wait()
        pltpu.sync_copy(rows_v.at[0], out_hbm.at[pl.ds(base, H)])
        g1.wait()
        pltpu.sync_copy(rows_v.at[1], out_hbm.at[pl.ds(base + H, H)])

    return k(buf2, dst)


def _ffn_body(x_ref, w1_ref, w2_ref, o_ref, acc_ref):
    f = pl.program_id(1)
    x_lo, x_hi = _unpack2(x_ref[...])
    w1b = w1_ref[0].astype(jnp.bfloat16)
    w2b = w2_ref[0].astype(jnp.bfloat16)
    mid = (jnp.dot(x_lo, w1b[:D2], preferred_element_type=jnp.float32)
           + jnp.dot(x_hi, w1b[D2:], preferred_element_type=jnp.float32))
    mid = _gelu_new(mid)
    h = jnp.dot(mid.astype(jnp.bfloat16), w2b,
                preferred_element_type=jnp.float32)

    @pl.when(f == 0)
    def _():
        acc_ref[...] = h

    @pl.when(f == 1)
    def _():
        hs = acc_ref[...] + h
        o_ref[...] = _pack2(hs[:, :D2], hs[:, D2:])


def _stage_ffn(buf, w1, w2):
    return pl.pallas_call(
        _ffn_body,
        grid=(E, 2),
        in_specs=[
            pl.BlockSpec((CAP, D2), lambda e, f: (e, 0)),
            pl.BlockSpec((1, D, FFC), lambda e, f: (e, 0, f)),
            pl.BlockSpec((1, FFC, D), lambda e, f: (e, f, 0)),
        ],
        out_specs=pl.BlockSpec((CAP, D2), lambda e, f: (e, 0)),
        out_shape=jax.ShapeDtypeStruct((BUF_ROWS, D2), jnp.uint32),
        scratch_shapes=[pltpu.VMEM((CAP, D), jnp.float32)],
    )(buf, w1, w2)


def _combine_body(x_ref, h_ref, rp_ref, dst_ref, sc_ref, bi_ref, o_ref):
    xb = x_ref[...]
    h_lo, h_hi = _unpack2(h_ref[...])
    hb = jnp.concatenate([h_lo.astype(jnp.float32),
                          h_hi.astype(jnp.float32)], axis=-1)
    mu = jnp.mean(xb, axis=-1, keepdims=True)
    var = jnp.var(xb, axis=-1, keepdims=True)
    nb = (xb - mu) / jnp.sqrt(var + 1e-5) * sc_ref[...] + bi_ref[...]
    sel = dst_ref[...] < NSLOT
    o_ref[...] = xb + rp_ref[...] * jnp.where(sel, hb, nb)


def _stage_combine(x, hg, rp, dst, scale, bias):
    return pl.pallas_call(
        _combine_body,
        grid=(S // TB,),
        in_specs=[
            pl.BlockSpec((TB, D), lambda i: (i, 0)),
            pl.BlockSpec((TB, D2), lambda i: (i, 0)),
            pl.BlockSpec((TB, 1), lambda i: (i, 0)),
            pl.BlockSpec((TB, 1), lambda i: (i, 0)),
            pl.BlockSpec((1, D), lambda i: (0, 0)),
            pl.BlockSpec((1, D), lambda i: (0, 0)),
        ],
        out_specs=pl.BlockSpec((TB, D), lambda i: (i, 0)),
        out_shape=jax.ShapeDtypeStruct((S, D), jnp.float32),
    )(x, hg, rp, dst, scale, bias)


def kernel(data, norm_scale, norm_bias, gate_w, w1, w2):
    x = data.reshape(S, D)
    scale = norm_scale.reshape(1, D)
    bias = norm_bias.reshape(1, D)
    norm, logits, ei, rp, dst = _stage_router(x, scale, bias, gate_w)
    dst1 = dst.reshape(S)
    buf = _sc_scatter(norm, dst1)
    buf2 = _stage_ffn(buf, w1, w2)
    hg = _sc_gather(buf2, dst1)
    out = _stage_combine(x, hg, rp, dst, scale, bias)
    return (out.reshape(1, S, D), logits.reshape(1, S, E), ei.reshape(1, S))

# --- scband reference (transcript-rebuilt; emitter-appended) ---
"""Pipeline reference for scband-switch-sparse-moe-8400956031009 (READ-ONLY COPY).

The authoritative reference and input builder live on the scoring server;
editing this copy changes nothing except your own understanding.
"""

import jax, jax.numpy as jnp
import numpy as np

B = 1
S = 2048
D_MODEL = 1024
D_FF = 2048
E = 8
CAP = 384


def gelu_new(x):
    return 0.5 * x * (1.0 + jnp.tanh(np.sqrt(2.0 / np.pi) * (x + 0.044715 * jnp.power(x, 3.0))))


def _layernorm(x, scale, bias):
    mu = jnp.mean(x, axis=-1, keepdims=True)
    var = jnp.var(x, axis=-1, keepdims=True)
    return (x - mu) / jnp.sqrt(var + 1e-5) * scale + bias


def setup_inputs(seed: int = 0) -> dict:
    key = jax.random.key(seed)
    ks = jax.random.split(key, 4)
    data = jax.random.normal(ks[0], (B, S, D_MODEL), dtype=jnp.float32)
    gate_w = jax.random.normal(ks[1], (D_MODEL, E), dtype=jnp.float32) * 0.02
    norm_scale = jnp.ones((D_MODEL,), dtype=jnp.float32)
    norm_bias = jnp.zeros((D_MODEL,), dtype=jnp.float32)
    w1 = jax.random.normal(ks[2], (E, D_MODEL, D_FF), dtype=jnp.float32) * 0.02
    w2 = jax.random.normal(ks[3], (E, D_FF, D_MODEL), dtype=jnp.float32) * 0.02
    return {"data": data, "norm_scale": norm_scale, "norm_bias": norm_bias, "gate_w": gate_w, "w1": w1, "w2": w2}


def reference(data, norm_scale, norm_bias, gate_w, w1, w2):
    # norm_fn
    norm_data = _layernorm(data, norm_scale, norm_bias)
    # route (jitter_noise=0 so no noise)
    router_logits = norm_data @ gate_w  # [B, S, E]
    router_probs = jax.nn.softmax(router_logits.astype(jnp.float32), axis=-1)
    expert_index = jnp.argmax(router_probs, axis=-1)  # [B, S]
    oh = jax.nn.one_hot(expert_index, E, dtype=jnp.int32)  # [B, S, E]
    token_priority = jnp.cumsum(oh, axis=-2)
    cap_mask = (token_priority <= CAP).astype(jnp.int32)
    router_mask = oh * cap_mask  # [B, S, E]
    rp = jnp.max(router_probs, axis=-1, keepdims=True)  # [B, S, 1]
    # experts: in torch, only selected tokens are processed then scattered back;
    # dense-compute + where-select is mathematically identical per token.
    next_states = norm_data
    for idx in range(E):
        sel = router_mask[:, :, idx].astype(bool)  # [B, S]
        h = gelu_new(norm_data @ w1[idx]) @ w2[idx]  # expert FFN
        next_states = jnp.where(sel[..., None], h, next_states)
    hidden_states = rp * next_states
    out = data + hidden_states  # dropout_rate=0
    return (out, router_logits, expert_index)

if __name__ == "__main__":
    import jax
    _d = setup_inputs()
    print(jax.jit(kernel)(*tuple(_d.values())))

</pallas_src>

<mosaic_0001>
#map = affine_map<(d0, d1) -> (0, 0)>
#map1 = affine_map<(d0, d1) -> (0)>
module attributes {stable_mosaic.version = 14 : i64} {
  func.func @k(%arg0: i32, %arg1: i32, %arg2: memref<2048x512xi32, #tpu.memory_space<hbm>>, %arg3: memref<2048xi32, #tpu.memory_space<hbm>>, %arg4: memref<3080x512xi32, #tpu.memory_space<hbm>>, %arg5: memref<2x32xi32, #tpu.memory_space<vmem>>, %arg6: memref<2x32x512xi32, #tpu.memory_space<vmem>>, %arg7: memref<!tpu.dma_semaphore, #tpu.memory_space<semaphore_mem>>, %arg8: memref<!tpu.dma_semaphore, #tpu.memory_space<semaphore_mem>>) attributes {dimension_semantics = [#tpu.dimension_semantics<core_parallel>, #tpu.dimension_semantics<subcore_parallel>], iteration_bounds = array<i64: 2, 16>, scalar_prefetch = 0 : i64, scratch_operands = 4 : i64, tpu.core_type = #tpu.core_type<sc_vector_subcore>, window_params = [{transform_indices = #map}, {transform_indices = #map1}, {transform_indices = #map}]} {
    %mul3A = arith.constant 2 : i32
    %mul3A_0 = arith.muli %arg1, %mul3A : i32
    %add3A = arith.addi %mul3A_0, %arg0 : i32
    %mul3A_1 = arith.constant 64 : i32
    %mul3A_2 = arith.muli %add3A, %mul3A_1 : i32
    %run_scoped3A = arith.constant 0 : i32
    "tpu.region"() ({
      %run_scoped3A_106 = tpu.sem_alloc : memref<!tpu.dma_semaphore, #tpu.memory_space<semaphore_mem>>
      %dma_start3A_107 = arith.constant 0 : i32
      %dma_start3A_108 = tpu.memref_slice %arg5[%run_scoped3A, %dma_start3A_107] : memref<2x32xi32, #tpu.memory_space<vmem>> -> memref<1x32xi32, #tpu.memory_space<vmem>>
      %dma_start3A_109 = tpu.memref_squeeze %dma_start3A_108 : memref<1x32xi32, #tpu.memory_space<vmem>> -> memref<32xi32, #tpu.memory_space<vmem>>
      %dma_start3A_110 = tpu.memref_slice %arg3[%mul3A_2] : memref<2048xi32, #tpu.memory_space<hbm>> -> memref<32xi32, #tpu.memory_space<hbm>>
      %dma_start3A_111 = arith.constant 0 : i32
      %dma_start3A_112 = tpu.memref_slice %arg5[%run_scoped3A, %dma_start3A_111] : memref<2x32xi32, #tpu.memory_space<vmem>> -> memref<1x32xi32, #tpu.memory_space<vmem>>
      %dma_start3A_113 = tpu.memref_squeeze %dma_start3A_112 : memref<1x32xi32, #tpu.memory_space<vmem>> -> memref<32xi32, #tpu.memory_space<vmem>>
      %dma_start3A_114 = tpu.memref_slice %arg3[%mul3A_2] : memref<2048xi32, #tpu.memory_space<hbm>> -> memref<32xi32, #tpu.memory_space<hbm>>
      tpu.enqueue_dma source(%dma_start3A_114 : memref<32xi32, #tpu.memory_space<hbm>>) target(%dma_start3A_113 : memref<32xi32, #tpu.memory_space<vmem>>) target_semaphore(%run_scoped3A_106 : memref<!tpu.dma_semaphore, #tpu.memory_space<semaphore_mem>>)
      %dma_wait3A_115 = arith.constant 0 : i32
      %dma_wait3A_116 = tpu.memref_slice %arg5[%run_scoped3A, %dma_wait3A_115] : memref<2x32xi32, #tpu.memory_space<vmem>> -> memref<1x32xi32, #tpu.memory_space<vmem>>
      %dma_wait3A_117 = tpu.memref_squeeze %dma_wait3A_116 : memref<1x32xi32, #tpu.memory_space<vmem>> -> memref<32xi32, #tpu.memory_space<vmem>>
      %dma_wait3A_118 = tpu.memref_slice %arg3[%mul3A_2] : memref<2048xi32, #tpu.memory_space<hbm>> -> memref<32xi32, #tpu.memory_space<hbm>>
      %dma_wait3A_119 = arith.constant 0 : i32
      %dma_wait3A_120 = tpu.memref_slice %arg5[%run_scoped3A, %dma_wait3A_119] : memref<2x32xi32, #tpu.memory_space<vmem>> -> memref<1x32xi32, #tpu.memory_space<vmem>>
      %dma_wait3A_121 = tpu.memref_squeeze %dma_wait3A_120 : memref<1x32xi32, #tpu.memory_space<vmem>> -> memref<32xi32, #tpu.memory_space<vmem>>
      %dma_wait3A_122 = tpu.memref_slice %arg3[%mul3A_2] : memref<2048xi32, #tpu.memory_space<hbm>> -> memref<32xi32, #tpu.memory_space<hbm>>
      tpu.wait_dma2 semaphore(%run_scoped3A_106 : memref<!tpu.dma_semaphore, #tpu.memory_space<semaphore_mem>>) src(%dma_wait3A_122 : memref<32xi32, #tpu.memory_space<hbm>>) dst(%dma_wait3A_121 : memref<32xi32, #tpu.memory_space<vmem>>)
      tpu.yield
    }) : () -> ()
    %add3A_3 = arith.constant 32 : i32
    %add3A_4 = arith.addi %mul3A_2, %add3A_3 : i32
    %run_scoped3A_5 = arith.constant 1 : i32
    "tpu.region"() ({
      %run_scoped3A_106 = tpu.sem_alloc : memref<!tpu.dma_semaphore, #tpu.memory_space<semaphore_mem>>
      %dma_start3A_107 = arith.constant 0 : i32
      %dma_start3A_108 = tpu.memref_slice %arg5[%run_scoped3A_5, %dma_start3A_107] : memref<2x32xi32, #tpu.memory_space<vmem>> -> memref<1x32xi32, #tpu.memory_space<vmem>>
      %dma_start3A_109 = tpu.memref_squeeze %dma_start3A_108 : memref<1x32xi32, #tpu.memory_space<vmem>> -> memref<32xi32, #tpu.memory_space<vmem>>
      %dma_start3A_110 = tpu.memref_slice %arg3[%add3A_4] : memref<2048xi32, #tpu.memory_space<hbm>> -> memref<32xi32, #tpu.memory_space<hbm>>
      %dma_start3A_111 = arith.constant 0 : i32
      %dma_start3A_112 = tpu.memref_slice %arg5[%run_scoped3A_5, %dma_start3A_111] : memref<2x32xi32, #tpu.memory_space<vmem>> -> memref<1x32xi32, #tpu.memory_space<vmem>>
      %dma_start3A_113 = tpu.memref_squeeze %dma_start3A_112 : memref<1x32xi32, #tpu.memory_space<vmem>> -> memref<32xi32, #tpu.memory_space<vmem>>
      %dma_start3A_114 = tpu.memref_slice %arg3[%add3A_4] : memref<2048xi32, #tpu.memory_space<hbm>> -> memref<32xi32, #tpu.memory_space<hbm>>
      tpu.enqueue_dma source(%dma_start3A_114 : memref<32xi32, #tpu.memory_space<hbm>>) target(%dma_start3A_113 : memref<32xi32, #tpu.memory_space<vmem>>) target_semaphore(%run_scoped3A_106 : memref<!tpu.dma_semaphore, #tpu.memory_space<semaphore_mem>>)
      %dma_wait3A_115 = arith.constant 0 : i32
      %dma_wait3A_116 = tpu.memref_slice %arg5[%run_scoped3A_5, %dma_wait3A_115] : memref<2x32xi32, #tpu.memory_space<vmem>> -> memref<1x32xi32, #tpu.memory_space<vmem>>
      %dma_wait3A_117 = tpu.memref_squeeze %dma_wait3A_116 : memref<1x32xi32, #tpu.memory_space<vmem>> -> memref<32xi32, #tpu.memory_space<vmem>>
      %dma_wait3A_118 = tpu.memref_slice %arg3[%add3A_4] : memref<2048xi32, #tpu.memory_space<hbm>> -> memref<32xi32, #tpu.memory_space<hbm>>
      %dma_wait3A_119 = arith.constant 0 : i32
      %dma_wait3A_120 = tpu.memref_slice %arg5[%run_scoped3A_5, %dma_wait3A_119] : memref<2x32xi32, #tpu.memory_space<vmem>> -> memref<1x32xi32, #tpu.memory_space<vmem>>
      %dma_wait3A_121 = tpu.memref_squeeze %dma_wait3A_120 : memref<1x32xi32, #tpu.memory_space<vmem>> -> memref<32xi32, #tpu.memory_space<vmem>>
      %dma_wait3A_122 = tpu.memref_slice %arg3[%add3A_4] : memref<2048xi32, #tpu.memory_space<hbm>> -> memref<32xi32, #tpu.memory_space<hbm>>
      tpu.wait_dma2 semaphore(%run_scoped3A_106 : memref<!tpu.dma_semaphore, #tpu.memory_space<semaphore_mem>>) src(%dma_wait3A_122 : memref<32xi32, #tpu.memory_space<hbm>>) dst(%dma_wait3A_121 : memref<32xi32, #tpu.memory_space<vmem>>)
      tpu.yield
    }) : () -> ()
    %dma_start3A = arith.constant 0 : i32
    %dma_start3A_6 = arith.constant 0 : i32
    %dma_start3A_7 = arith.constant 0 : i32
    %dma_start3A_8 = tpu.memref_slice %arg6[%dma_start3A, %dma_start3A_6, %dma_start3A_7] : memref<2x32x512xi32, #tpu.memory_space<vmem>> -> memref<1x32x512xi32, #tpu.memory_space<vmem>>
    %dma_start3A_9 = tpu.memref_squeeze %dma_start3A_8 : memref<1x32x512xi32, #tpu.memory_space<vmem>> -> memref<32x512xi32, #tpu.memory_space<vmem>>
    %dma_start3A_10 = arith.constant 0 : i32
    %dma_start3A_11 = tpu.memref_slice %arg2[%mul3A_2, %dma_start3A_10] : memref<2048x512xi32, #tpu.memory_space<hbm>> -> memref<32x512xi32, #tpu.memory_space<hbm>>
    %dma_start3A_12 = arith.constant 0 : i32
    %dma_start3A_13 = arith.constant 0 : i32
    %dma_start3A_14 = tpu.memref_slice %arg6[%dma_start3A, %dma_start3A_12, %dma_start3A_13] : memref<2x32x512xi32, #tpu.memory_space<vmem>> -> memref<1x32x512xi32, #tpu.memory_space<vmem>>
    %dma_start3A_15 = tpu.memref_squeeze %dma_start3A_14 : memref<1x32x512xi32, #tpu.memory_space<vmem>> -> memref<32x512xi32, #tpu.memory_space<vmem>>
    %dma_start3A_16 = arith.constant 0 : i32
    %dma_start3A_17 = tpu.memref_slice %arg2[%mul3A_2, %dma_start3A_16] : memref<2048x512xi32, #tpu.memory_space<hbm>> -> memref<32x512xi32, #tpu.memory_space<hbm>>
    tpu.enqueue_dma source(%dma_start3A_17 : memref<32x512xi32, #tpu.memory_space<hbm>>) target(%dma_start3A_15 : memref<32x512xi32, #tpu.memory_space<vmem>>) target_semaphore(%arg7 : memref<!tpu.dma_semaphore, #tpu.memory_space<semaphore_mem>>)
    %add3A_18 = arith.constant 32 : i32
    %add3A_19 = arith.addi %mul3A_2, %add3A_18 : i32
    %dma_start3A_20 = arith.constant 1 : i32
    %dma_start3A_21 = arith.constant 0 : i32
    %dma_start3A_22 = arith.constant 0 : i32
    %dma_start3A_23 = tpu.memref_slice %arg6[%dma_start3A_20, %dma_start3A_21, %dma_start3A_22] : memref<2x32x512xi32, #tpu.memory_space<vmem>> -> memref<1x32x512xi32, #tpu.memory_space<vmem>>
    %dma_start3A_24 = tpu.memref_squeeze %dma_start3A_23 : memref<1x32x512xi32, #tpu.memory_space<vmem>> -> memref<32x512xi32, #tpu.memory_space<vmem>>
    %dma_start3A_25 = arith.constant 0 : i32
    %dma_start3A_26 = tpu.memref_slice %arg2[%add3A_19, %dma_start3A_25] : memref<2048x512xi32, #tpu.memory_space<hbm>> -> memref<32x512xi32, #tpu.memory_space<hbm>>
    %dma_start3A_27 = arith.constant 0 : i32
    %dma_start3A_28 = arith.constant 0 : i32
    %dma_start3A_29 = tpu.memref_slice %arg6[%dma_start3A_20, %dma_start3A_27, %dma_start3A_28] : memref<2x32x512xi32, #tpu.memory_space<vmem>> -> memref<1x32x512xi32, #tpu.memory_space<vmem>>
    %dma_start3A_30 = tpu.memref_squeeze %dma_start3A_29 : memref<1x32x512xi32, #tpu.memory_space<vmem>> -> memref<32x512xi32, #tpu.memory_space<vmem>>
    %dma_start3A_31 = arith.constant 0 : i32
    %dma_start3A_32 = tpu.memref_slice %arg2[%add3A_19, %dma_start3A_31] : memref<2048x512xi32, #tpu.memory_space<hbm>> -> memref<32x512xi32, #tpu.memory_space<hbm>>
    tpu.enqueue_dma source(%dma_start3A_32 : memref<32x512xi32, #tpu.memory_space<hbm>>) target(%dma_start3A_30 : memref<32x512xi32, #tpu.memory_space<vmem>>) target_semaphore(%arg8 : memref<!tpu.dma_semaphore, #tpu.memory_space<semaphore_mem>>)
    %dma_wait3A = arith.constant 0 : i32
    %dma_wait3A_33 = arith.constant 0 : i32
    %dma_wait3A_34 = arith.constant 0 : i32
    %dma_wait3A_35 = tpu.memref_slice %arg6[%dma_wait3A, %dma_wait3A_33, %dma_wait3A_34] : memref<2x32x512xi32, #tpu.memory_space<vmem>> -> memref<1x32x512xi32, #tpu.memory_space<vmem>>
    %dma_wait3A_36 = tpu.memref_squeeze %dma_wait3A_35 : memref<1x32x512xi32, #tpu.memory_space<vmem>> -> memref<32x512xi32, #tpu.memory_space<vmem>>
    %dma_wait3A_37 = arith.constant 0 : i32
    %dma_wait3A_38 = tpu.memref_slice %arg2[%mul3A_2, %dma_wait3A_37] : memref<2048x512xi32, #tpu.memory_space<hbm>> -> memref<32x512xi32, #tpu.memory_space<hbm>>
    %dma_wait3A_39 = arith.constant 0 : i32
    %dma_wait3A_40 = arith.constant 0 : i32
    %dma_wait3A_41 = tpu.memref_slice %arg6[%dma_wait3A, %dma_wait3A_39, %dma_wait3A_40] : memref<2x32x512xi32, #tpu.memory_space<vmem>> -> memref<1x32x512xi32, #tpu.memory_space<vmem>>
    %dma_wait3A_42 = tpu.memref_squeeze %dma_wait3A_41 : memref<1x32x512xi32, #tpu.memory_space<vmem>> -> memref<32x512xi32, #tpu.memory_space<vmem>>
    %dma_wait3A_43 = arith.constant 0 : i32
    %dma_wait3A_44 = tpu.memref_slice %arg2[%mul3A_2, %dma_wait3A_43] : memref<2048x512xi32, #tpu.memory_space<hbm>> -> memref<32x512xi32, #tpu.memory_space<hbm>>
    tpu.wait_dma2 semaphore(%arg7 : memref<!tpu.dma_semaphore, #tpu.memory_space<semaphore_mem>>) src(%dma_wait3A_44 : memref<32x512xi32, #tpu.memory_space<hbm>>) dst(%dma_wait3A_42 : memref<32x512xi32, #tpu.memory_space<vmem>>)
    %dma_start3A_45 = arith.constant 0 : i32
    %dma_start3A_46 = arith.constant 0 : i32
    %dma_start3A_47 = arith.constant 0 : i32
    %dma_start3A_48 = arith.constant 0 : i32
    %dma_start3A_49 = tpu.memref_slice %arg6[%dma_start3A_45, %dma_start3A_47, %dma_start3A_48] : memref<2x32x512xi32, #tpu.memory_space<vmem>> -> memref<1x32x512xi32, #tpu.memory_space<vmem>>
    %dma_start3A_50 = tpu.memref_squeeze %dma_start3A_49 : memref<1x32x512xi32, #tpu.memory_space<vmem>> -> memref<32x512xi32, #tpu.memory_space<vmem>>
    %dma_start3A_51 = arith.constant 0 : i32
    %dma_start3A_52 = tpu.memref_slice %arg5[%dma_start3A_46, %dma_start3A_51] : memref<2x32xi32, #tpu.memory_space<vmem>> -> memref<1x32xi32, #tpu.memory_space<vmem>>
    %dma_start3A_53 = tpu.memref_squeeze %dma_start3A_52 : memref<1x32xi32, #tpu.memory_space<vmem>> -> memref<32xi32, #tpu.memory_space<vmem>>
    %dma_start3A_54 = arith.constant 0 : i32
    %dma_start3A_55 = arith.constant 0 : i32
    %dma_start3A_56 = tpu.memref_slice %arg4[%dma_start3A_54, %dma_start3A_55] : memref<3080x512xi32, #tpu.memory_space<hbm>> -> memref<3080x512xi32, #tpu.memory_space<hbm>>
    tpu.enqueue_indirect_dma source(%dma_start3A_50 : memref<32x512xi32, #tpu.memory_space<vmem>>) target(%dma_start3A_56 : memref<3080x512xi32, #tpu.memory_space<hbm>>) offsets(%dma_start3A_53 : memref<32xi32, #tpu.memory_space<vmem>>) semaphore(%arg7 : memref<!tpu.dma_semaphore, #tpu.memory_space<semaphore_mem>>)
    %dma_wait3A_57 = arith.constant 1 : i32
    %dma_wait3A_58 = arith.constant 0 : i32
    %dma_wait3A_59 = arith.constant 0 : i32
    %dma_wait3A_60 = tpu.memref_slice %arg6[%dma_wait3A_57, %dma_wait3A_58, %dma_wait3A_59] : memref<2x32x512xi32, #tpu.memory_space<vmem>> -> memref<1x32x512xi32, #tpu.memory_space<vmem>>
    %dma_wait3A_61 = tpu.memref_squeeze %dma_wait3A_60 : memref<1x32x512xi32, #tpu.memory_space<vmem>> -> memref<32x512xi32, #tpu.memory_space<vmem>>
    %dma_wait3A_62 = arith.constant 0 : i32
    %dma_wait3A_63 = tpu.memref_slice %arg2[%add3A_19, %dma_wait3A_62] : memref<2048x512xi32, #tpu.memory_space<hbm>> -> memref<32x512xi32, #tpu.memory_space<hbm>>
    %dma_wait3A_64 = arith.constant 0 : i32
    %dma_wait3A_65 = arith.constant 0 : i32
    %dma_wait3A_66 = tpu.memref_slice %arg6[%dma_wait3A_57, %dma_wait3A_64, %dma_wait3A_65] : memref<2x32x512xi32, #tpu.memory_space<vmem>> -> memref<1x32x512xi32, #tpu.memory_space<vmem>>
    %dma_wait3A_67 = tpu.memref_squeeze %dma_wait3A_66 : memref<1x32x512xi32, #tpu.memory_space<vmem>> -> memref<32x512xi32, #tpu.memory_space<vmem>>
    %dma_wait3A_68 = arith.constant 0 : i32
    %dma_wait3A_69 = tpu.memref_slice %arg2[%add3A_19, %dma_wait3A_68] : memref<2048x512xi32, #tpu.memory_space<hbm>> -> memref<32x512xi32, #tpu.memory_space<hbm>>
    tpu.wait_dma2 semaphore(%arg8 : memref<!tpu.dma_semaphore, #tpu.memory_space<semaphore_mem>>) src(%dma_wait3A_69 : memref<32x512xi32, #tpu.memory_space<hbm>>) dst(%dma_wait3A_67 : memref<32x512xi32, #tpu.memory_space<vmem>>)
    %dma_start3A_70 = arith.constant 1 : i32
    %dma_start3A_71 = arith.constant 1 : i32
    %dma_start3A_72 = arith.constant 0 : i32
    %dma_start3A_73 = arith.constant 0 : i32
    %dma_start3A_74 = tpu.memref_slice %arg6[%dma_start3A_70, %dma_start3A_72, %dma_start3A_73] : memref<2x32x512xi32, #tpu.memory_space<vmem>> -> memref<1x32x512xi32, #tpu.memory_space<vmem>>
    %dma_start3A_75 = tpu.memref_squeeze %dma_start3A_74 : memref<1x32x512xi32, #tpu.memory_space<vmem>> -> memref<32x512xi32, #tpu.memory_space<vmem>>
    %dma_start3A_76 = arith.constant 0 : i32
    %dma_start3A_77 = tpu.memref_slice %arg5[%dma_start3A_71, %dma_start3A_76] : memref<2x32xi32, #tpu.memory_space<vmem>> -> memref<1x32xi32, #tpu.memory_space<vmem>>
    %dma_start3A_78 = tpu.memref_squeeze %dma_start3A_77 : memref<1x32xi32, #tpu.memory_space<vmem>> -> memref<32xi32, #tpu.memory_space<vmem>>
    %dma_start3A_79 = arith.constant 0 : i32
    %dma_start3A_80 = arith.constant 0 : i32
    %dma_start3A_81 = tpu.memref_slice %arg4[%dma_start3A_79, %dma_start3A_80] : memref<3080x512xi32, #tpu.memory_space<hbm>> -> memref<3080x512xi32, #tpu.memory_space<hbm>>
    tpu.enqueue_indirect_dma source(%dma_start3A_75 : memref<32x512xi32, #tpu.memory_space<vmem>>) target(%dma_start3A_81 : memref<3080x512xi32, #tpu.memory_space<hbm>>) offsets(%dma_start3A_78 : memref<32xi32, #tpu.memory_space<vmem>>) semaphore(%arg8 : memref<!tpu.dma_semaphore, #tpu.memory_space<semaphore_mem>>)
    %dma_wait3A_82 = arith.constant 0 : i32
    %dma_wait3A_83 = arith.constant 0 : i32
    %dma_wait3A_84 = arith.constant 0 : i32
    %dma_wait3A_85 = arith.constant 0 : i32
    %dma_wait3A_86 = tpu.memref_slice %arg6[%dma_wait3A_82, %dma_wait3A_84, %dma_wait3A_85] : memref<2x32x512xi32, #tpu.memory_space<vmem>> -> memref<1x32x512xi32, #tpu.memory_space<vmem>>
    %dma_wait3A_87 = tpu.memref_squeeze %dma_wait3A_86 : memref<1x32x512xi32, #tpu.memory_space<vmem>> -> memref<32x512xi32, #tpu.memory_space<vmem>>
    %dma_wait3A_88 = arith.constant 0 : i32
    %dma_wait3A_89 = tpu.memref_slice %arg5[%dma_wait3A_83, %dma_wait3A_88] : memref<2x32xi32, #tpu.memory_space<vmem>> -> memref<1x32xi32, #tpu.memory_space<vmem>>
    %dma_wait3A_90 = tpu.memref_squeeze %dma_wait3A_89 : memref<1x32xi32, #tpu.memory_space<vmem>> -> memref<32xi32, #tpu.memory_space<vmem>>
    %dma_wait3A_91 = arith.constant 0 : i32
    %dma_wait3A_92 = arith.constant 0 : i32
    %dma_wait3A_93 = tpu.memref_slice %arg4[%dma_wait3A_91, %dma_wait3A_92] : memref<3080x512xi32, #tpu.memory_space<hbm>> -> memref<3080x512xi32, #tpu.memory_space<hbm>>
    tpu.wait_indirect_dma semaphore(%arg7 : memref<!tpu.dma_semaphore, #tpu.memory_space<semaphore_mem>>) src(%dma_wait3A_87 : memref<32x512xi32, #tpu.memory_space<vmem>>) dst(%dma_wait3A_93 : memref<3080x512xi32, #tpu.memory_space<hbm>>)
    %dma_wait3A_94 = arith.constant 1 : i32
    %dma_wait3A_95 = arith.constant 1 : i32
    %dma_wait3A_96 = arith.constant 0 : i32
    %dma_wait3A_97 = arith.constant 0 : i32
    %dma_wait3A_98 = tpu.memref_slice %arg6[%dma_wait3A_94, %dma_wait3A_96, %dma_wait3A_97] : memref<2x32x512xi32, #tpu.memory_space<vmem>> -> memref<1x32x512xi32, #tpu.memory_space<vmem>>
    %dma_wait3A_99 = tpu.memref_squeeze %dma_wait3A_98 : memref<1x32x512xi32, #tpu.memory_space<vmem>> -> memref<32x512xi32, #tpu.memory_space<vmem>>
    %dma_wait3A_100 = arith.constant 0 : i32
    %dma_wait3A_101 = tpu.memref_slice %arg5[%dma_wait3A_95, %dma_wait3A_100] : memref<2x32xi32, #tpu.memory_space<vmem>> -> memref<1x32xi32, #tpu.memory_space<vmem>>
    %dma_wait3A_102 = tpu.memref_squeeze %dma_wait3A_101 : memref<1x32xi32, #tpu.memory_space<vmem>> -> memref<32xi32, #tpu.memory_space<vmem>>
    %dma_wait3A_103 = arith.constant 0 : i32
    %dma_wait3A_104 = arith.constant 0 : i32
    %dma_wait3A_105 = tpu.memref_slice %arg4[%dma_wait3A_103, %dma_wait3A_104] : memref<3080x512xi32, #tpu.memory_space<hbm>> -> memref<3080x512xi32, #tpu.memory_space<hbm>>
    tpu.wait_indirect_dma semaphore(%arg8 : memref<!tpu.dma_semaphore, #tpu.memory_space<semaphore_mem>>) src(%dma_wait3A_99 : memref<32x512xi32, #tpu.memory_space<vmem>>) dst(%dma_wait3A_105 : memref<3080x512xi32, #tpu.memory_space<hbm>>)
    return
  }
}

#map = affine_map<(d0, d1) -> (0, 0)>
#map1 = affine_map<(d0, d1) -> (0)>
module attributes {stable_mosaic.version = 14 : i64} {
  func.func @k(%arg0: i32, %arg1: i32, %arg2: memref<3080x512xi32, #tpu.memory_space<hbm>>, %arg3: memref<2048xi32, #tpu.memory_space<hbm>>, %arg4: memref<2048x512xi32, #tpu.memory_space<hbm>>, %arg5: memref<2x32xi32, #tpu.memory_space<vmem>>, %arg6: memref<2x32x512xi32, #tpu.memory_space<vmem>>, %arg7: memref<!tpu.dma_semaphore, #tpu.memory_space<semaphore_mem>>, %arg8: memref<!tpu.dma_semaphore, #tpu.memory_space<semaphore_mem>>) attributes {dimension_semantics = [#tpu.dimension_semantics<core_parallel>, #tpu.dimension_semantics<subcore_parallel>], iteration_bounds = array<i64: 2, 16>, scalar_prefetch = 0 : i64, scratch_operands = 4 : i64, tpu.core_type = #tpu.core_type<sc_vector_subcore>, window_params = [{transform_indices = #map}, {transform_indices = #map1}, {transform_indices = #map}]} {
    %mul3A = arith.constant 2 : i32
    %mul3A_0 = arith.muli %arg1, %mul3A : i32
    %add3A = arith.addi %mul3A_0, %arg0 : i32
    %mul3A_1 = arith.constant 64 : i32
    %mul3A_2 = arith.muli %add3A, %mul3A_1 : i32
    %run_scoped3A = arith.constant 0 : i32
    "tpu.region"() ({
      %run_scoped3A_56 = tpu.sem_alloc : memref<!tpu.dma_semaphore, #tpu.memory_space<semaphore_mem>>
      %dma_start3A_57 = arith.constant 0 : i32
      %dma_start3A_58 = tpu.memref_slice %arg5[%run_scoped3A, %dma_start3A_57] : memref<2x32xi32, #tpu.memory_space<vmem>> -> memref<1x32xi32, #tpu.memory_space<vmem>>
      %dma_start3A_59 = tpu.memref_squeeze %dma_start3A_58 : memref<1x32xi32, #tpu.memory_space<vmem>> -> memref<32xi32, #tpu.memory_space<vmem>>
      %dma_start3A_60 = tpu.memref_slice %arg3[%mul3A_2] : memref<2048xi32, #tpu.memory_space<hbm>> -> memref<32xi32, #tpu.memory_space<hbm>>
      %dma_start3A_61 = arith.constant 0 : i32
      %dma_start3A_62 = tpu.memref_slice %arg5[%run_scoped3A, %dma_start3A_61] : memref<2x32xi32, #tpu.memory_space<vmem>> -> memref<1x32xi32, #tpu.memory_space<vmem>>
      %dma_start3A_63 = tpu.memref_squeeze %dma_start3A_62 : memref<1x32xi32, #tpu.memory_space<vmem>> -> memref<32xi32, #tpu.memory_space<vmem>>
      %dma_start3A_64 = tpu.memref_slice %arg3[%mul3A_2] : memref<2048xi32, #tpu.memory_space<hbm>> -> memref<32xi32, #tpu.memory_space<hbm>>
      tpu.enqueue_dma source(%dma_start3A_64 : memref<32xi32, #tpu.memory_space<hbm>>) target(%dma_start3A_63 : memref<32xi32, #tpu.memory_space<vmem>>) target_semaphore(%run_scoped3A_56 : memref<!tpu.dma_semaphore, #tpu.memory_space<semaphore_mem>>)
      %dma_wait3A_65 = arith.constant 0 : i32
      %dma_wait3A_66 = tpu.memref_slice %arg5[%run_scoped3A, %dma_wait3A_65] : memref<2x32xi32, #tpu.memory_space<vmem>> -> memref<1x32xi32, #tpu.memory_space<vmem>>
      %dma_wait3A_67 = tpu.memref_squeeze %dma_wait3A_66 : memref<1x32xi32, #tpu.memory_space<vmem>> -> memref<32xi32, #tpu.memory_space<vmem>>
      %dma_wait3A_68 = tpu.memref_slice %arg3[%mul3A_2] : memref<2048xi32, #tpu.memory_space<hbm>> -> memref<32xi32, #tpu.memory_space<hbm>>
      %dma_wait3A_69 = arith.constant 0 : i32
      %dma_wait3A_70 = tpu.memref_slice %arg5[%run_scoped3A, %dma_wait3A_69] : memref<2x32xi32, #tpu.memory_space<vmem>> -> memref<1x32xi32, #tpu.memory_space<vmem>>
      %dma_wait3A_71 = tpu.memref_squeeze %dma_wait3A_70 : memref<1x32xi32, #tpu.memory_space<vmem>> -> memref<32xi32, #tpu.memory_space<vmem>>
      %dma_wait3A_72 = tpu.memref_slice %arg3[%mul3A_2] : memref<2048xi32, #tpu.memory_space<hbm>> -> memref<32xi32, #tpu.memory_space<hbm>>
      tpu.wait_dma2 semaphore(%run_scoped3A_56 : memref<!tpu.dma_semaphore, #tpu.memory_space<semaphore_mem>>) src(%dma_wait3A_72 : memref<32xi32, #tpu.memory_space<hbm>>) dst(%dma_wait3A_71 : memref<32xi32, #tpu.memory_space<vmem>>)
      tpu.yield
    }) : () -> ()
    %add3A_3 = arith.constant 32 : i32
    %add3A_4 = arith.addi %mul3A_2, %add3A_3 : i32
    %run_scoped3A_5 = arith.constant 1 : i32
    "tpu.region"() ({
      %run_scoped3A_56 = tpu.sem_alloc : memref<!tpu.dma_semaphore, #tpu.memory_space<semaphore_mem>>
      %dma_start3A_57 = arith.constant 0 : i32
      %dma_start3A_58 = tpu.memref_slice %arg5[%run_scoped3A_5, %dma_start3A_57] : memref<2x32xi32, #tpu.memory_space<vmem>> -> memref<1x32xi32, #tpu.memory_space<vmem>>
      %dma_start3A_59 = tpu.memref_squeeze %dma_start3A_58 : memref<1x32xi32, #tpu.memory_space<vmem>> -> memref<32xi32, #tpu.memory_space<vmem>>
      %dma_start3A_60 = tpu.memref_slice %arg3[%add3A_4] : memref<2048xi32, #tpu.memory_space<hbm>> -> memref<32xi32, #tpu.memory_space<hbm>>
      %dma_start3A_61 = arith.constant 0 : i32
      %dma_start3A_62 = tpu.memref_slice %arg5[%run_scoped3A_5, %dma_start3A_61] : memref<2x32xi32, #tpu.memory_space<vmem>> -> memref<1x32xi32, #tpu.memory_space<vmem>>
      %dma_start3A_63 = tpu.memref_squeeze %dma_start3A_62 : memref<1x32xi32, #tpu.memory_space<vmem>> -> memref<32xi32, #tpu.memory_space<vmem>>
      %dma_start3A_64 = tpu.memref_slice %arg3[%add3A_4] : memref<2048xi32, #tpu.memory_space<hbm>> -> memref<32xi32, #tpu.memory_space<hbm>>
      tpu.enqueue_dma source(%dma_start3A_64 : memref<32xi32, #tpu.memory_space<hbm>>) target(%dma_start3A_63 : memref<32xi32, #tpu.memory_space<vmem>>) target_semaphore(%run_scoped3A_56 : memref<!tpu.dma_semaphore, #tpu.memory_space<semaphore_mem>>)
      %dma_wait3A_65 = arith.constant 0 : i32
      %dma_wait3A_66 = tpu.memref_slice %arg5[%run_scoped3A_5, %dma_wait3A_65] : memref<2x32xi32, #tpu.memory_space<vmem>> -> memref<1x32xi32, #tpu.memory_space<vmem>>
      %dma_wait3A_67 = tpu.memref_squeeze %dma_wait3A_66 : memref<1x32xi32, #tpu.memory_space<vmem>> -> memref<32xi32, #tpu.memory_space<vmem>>
      %dma_wait3A_68 = tpu.memref_slice %arg3[%add3A_4] : memref<2048xi32, #tpu.memory_space<hbm>> -> memref<32xi32, #tpu.memory_space<hbm>>
      %dma_wait3A_69 = arith.constant 0 : i32
      %dma_wait3A_70 = tpu.memref_slice %arg5[%run_scoped3A_5, %dma_wait3A_69] : memref<2x32xi32, #tpu.memory_space<vmem>> -> memref<1x32xi32, #tpu.memory_space<vmem>>
      %dma_wait3A_71 = tpu.memref_squeeze %dma_wait3A_70 : memref<1x32xi32, #tpu.memory_space<vmem>> -> memref<32xi32, #tpu.memory_space<vmem>>
      %dma_wait3A_72 = tpu.memref_slice %arg3[%add3A_4] : memref<2048xi32, #tpu.memory_space<hbm>> -> memref<32xi32, #tpu.memory_space<hbm>>
      tpu.wait_dma2 semaphore(%run_scoped3A_56 : memref<!tpu.dma_semaphore, #tpu.memory_space<semaphore_mem>>) src(%dma_wait3A_72 : memref<32xi32, #tpu.memory_space<hbm>>) dst(%dma_wait3A_71 : memref<32xi32, #tpu.memory_space<vmem>>)
      tpu.yield
    }) : () -> ()
    %dma_start3A = arith.constant 0 : i32
    %dma_start3A_6 = arith.constant 0 : i32
    %dma_start3A_7 = arith.constant 0 : i32
    %dma_start3A_8 = arith.constant 0 : i32
    %dma_start3A_9 = tpu.memref_slice %arg6[%dma_start3A_6, %dma_start3A_7, %dma_start3A_8] : memref<2x32x512xi32, #tpu.memory_space<vmem>> -> memref<1x32x512xi32, #tpu.memory_space<vmem>>
    %dma_start3A_10 = tpu.memref_squeeze %dma_start3A_9 : memref<1x32x512xi32, #tpu.memory_space<vmem>> -> memref<32x512xi32, #tpu.memory_space<vmem>>
    %dma_start3A_11 = arith.constant 0 : i32
    %dma_start3A_12 = tpu.memref_slice %arg5[%dma_start3A, %dma_start3A_11] : memref<2x32xi32, #tpu.memory_space<vmem>> -> memref<1x32xi32, #tpu.memory_space<vmem>>
    %dma_start3A_13 = tpu.memref_squeeze %dma_start3A_12 : memref<1x32xi32, #tpu.memory_space<vmem>> -> memref<32xi32, #tpu.memory_space<vmem>>
    %dma_start3A_14 = arith.constant 0 : i32
    %dma_start3A_15 = arith.constant 0 : i32
    %dma_start3A_16 = tpu.memref_slice %arg2[%dma_start3A_14, %dma_start3A_15] : memref<3080x512xi32, #tpu.memory_space<hbm>> -> memref<3080x512xi32, #tpu.memory_space<hbm>>
    tpu.enqueue_indirect_dma source(%dma_start3A_16 : memref<3080x512xi32, #tpu.memory_space<hbm>>) target(%dma_start3A_10 : memref<32x512xi32, #tpu.memory_space<vmem>>) offsets(%dma_start3A_13 : memref<32xi32, #tpu.memory_space<vmem>>) semaphore(%arg7 : memref<!tpu.dma_semaphore, #tpu.memory_space<semaphore_mem>>)
    %dma_start3A_17 = arith.constant 1 : i32
    %dma_start3A_18 = arith.constant 1 : i32
    %dma_start3A_19 = arith.constant 0 : i32
    %dma_start3A_20 = arith.constant 0 : i32
    %dma_start3A_21 = tpu.memref_slice %arg6[%dma_start3A_18, %dma_start3A_19, %dma_start3A_20] : memref<2x32x512xi32, #tpu.memory_space<vmem>> -> memref<1x32x512xi32, #tpu.memory_space<vmem>>
    %dma_start3A_22 = tpu.memref_squeeze %dma_start3A_21 : memref<1x32x512xi32, #tpu.memory_space<vmem>> -> memref<32x512xi32, #tpu.memory_space<vmem>>
    %dma_start3A_23 = arith.constant 0 : i32
    %dma_start3A_24 = tpu.memref_slice %arg5[%dma_start3A_17, %dma_start3A_23] : memref<2x32xi32, #tpu.memory_space<vmem>> -> memref<1x32xi32, #tpu.memory_space<vmem>>
    %dma_start3A_25 = tpu.memref_squeeze %dma_start3A_24 : memref<1x32xi32, #tpu.memory_space<vmem>> -> memref<32xi32, #tpu.memory_space<vmem>>
    %dma_start3A_26 = arith.constant 0 : i32
    %dma_start3A_27 = arith.constant 0 : i32
    %dma_start3A_28 = tpu.memref_slice %arg2[%dma_start3A_26, %dma_start3A_27] : memref<3080x512xi32, #tpu.memory_space<hbm>> -> memref<3080x512xi32, #tpu.memory_space<hbm>>
    tpu.enqueue_indirect_dma source(%dma_start3A_28 : memref<3080x512xi32, #tpu.memory_space<hbm>>) target(%dma_start3A_22 : memref<32x512xi32, #tpu.memory_space<vmem>>) offsets(%dma_start3A_25 : memref<32xi32, #tpu.memory_space<vmem>>) semaphore(%arg8 : memref<!tpu.dma_semaphore, #tpu.memory_space<semaphore_mem>>)
    %dma_wait3A = arith.constant 0 : i32
    %dma_wait3A_29 = arith.constant 0 : i32
    %dma_wait3A_30 = arith.constant 0 : i32
    %dma_wait3A_31 = arith.constant 0 : i32
    %dma_wait3A_32 = tpu.memref_slice %arg6[%dma_wait3A_29, %dma_wait3A_30, %dma_wait3A_31] : memref<2x32x512xi32, #tpu.memory_space<vmem>> -> memref<1x32x512xi32, #tpu.memory_space<vmem>>
    %dma_wait3A_33 = tpu.memref_squeeze %dma_wait3A_32 : memref<1x32x512xi32, #tpu.memory_space<vmem>> -> memref<32x512xi32, #tpu.memory_space<vmem>>
    %dma_wait3A_34 = arith.constant 0 : i32
    %dma_wait3A_35 = tpu.memref_slice %arg5[%dma_wait3A, %dma_wait3A_34] : memref<2x32xi32, #tpu.memory_space<vmem>> -> memref<1x32xi32, #tpu.memory_space<vmem>>
    %dma_wait3A_36 = tpu.memref_squeeze %dma_wait3A_35 : memref<1x32xi32, #tpu.memory_space<vmem>> -> memref<32xi32, #tpu.memory_space<vmem>>
    %dma_wait3A_37 = arith.constant 0 : i32
    %dma_wait3A_38 = arith.constant 0 : i32
    %dma_wait3A_39 = tpu.memref_slice %arg2[%dma_wait3A_37, %dma_wait3A_38] : memref<3080x512xi32, #tpu.memory_space<hbm>> -> memref<3080x512xi32, #tpu.memory_space<hbm>>
    tpu.wait_indirect_dma semaphore(%arg7 : memref<!tpu.dma_semaphore, #tpu.memory_space<semaphore_mem>>) src(%dma_wait3A_39 : memref<3080x512xi32, #tpu.memory_space<hbm>>) dst(%dma_wait3A_33 : memref<32x512xi32, #tpu.memory_space<vmem>>)
    %run_scoped3A_40 = arith.constant 0 : i32
    "tpu.region"() ({
      %run_scoped3A_56 = tpu.sem_alloc : memref<!tpu.dma_semaphore, #tpu.memory_space<semaphore_mem>>
      %dma_start3A_57 = arith.constant 0 : i32
      %dma_start3A_58 = arith.constant 0 : i32
      %dma_start3A_59 = tpu.memref_slice %arg6[%run_scoped3A_40, %dma_start3A_57, %dma_start3A_58] : memref<2x32x512xi32, #tpu.memory_space<vmem>> -> memref<1x32x512xi32, #tpu.memory_space<vmem>>
      %dma_start3A_60 = tpu.memref_squeeze %dma_start3A_59 : memref<1x32x512xi32, #tpu.memory_space<vmem>> -> memref<32x512xi32, #tpu.memory_space<vmem>>
      %dma_start3A_61 = arith.constant 0 : i32
      %dma_start3A_62 = tpu.memref_slice %arg4[%mul3A_2, %dma_start3A_61] : memref<2048x512xi32, #tpu.memory_space<hbm>> -> memref<32x512xi32, #tpu.memory_space<hbm>>
      %dma_start3A_63 = arith.constant 0 : i32
      %dma_start3A_64 = tpu.memref_slice %arg4[%mul3A_2, %dma_start3A_63] : memref<2048x512xi32, #tpu.memory_space<hbm>> -> memref<32x512xi32, #tpu.memory_space<hbm>>
      %dma_start3A_65 = arith.constant 0 : i32
      %dma_start3A_66 = arith.constant 0 : i32
      %dma_start3A_67 = tpu.memref_slice %arg6[%run_scoped3A_40, %dma_start3A_65, %dma_start3A_66] : memref<2x32x512xi32, #tpu.memory_space<vmem>> -> memref<1x32x512xi32, #tpu.memory_space<vmem>>
      %dma_start3A_68 = tpu.memref_squeeze %dma_start3A_67 : memref<1x32x512xi32, #tpu.memory_space<vmem>> -> memref<32x512xi32, #tpu.memory_space<vmem>>
      tpu.enqueue_dma source(%dma_start3A_68 : memref<32x512xi32, #tpu.memory_space<vmem>>) target(%dma_start3A_64 : memref<32x512xi32, #tpu.memory_space<hbm>>) target_semaphore(%run_scoped3A_56 : memref<!tpu.dma_semaphore, #tpu.memory_space<semaphore_mem>>)
      %dma_wait3A_69 = arith.constant 0 : i32
      %dma_wait3A_70 = arith.constant 0 : i32
      %dma_wait3A_71 = tpu.memref_slice %arg6[%run_scoped3A_40, %dma_wait3A_69, %dma_wait3A_70] : memref<2x32x512xi32, #tpu.memory_space<vmem>> -> memref<1x32x512xi32, #tpu.memory_space<vmem>>
      %dma_wait3A_72 = tpu.memref_squeeze %dma_wait3A_71 : memref<1x32x512xi32, #tpu.memory_space<vmem>> -> memref<32x512xi32, #tpu.memory_space<vmem>>
      %dma_wait3A_73 = arith.constant 0 : i32
      %dma_wait3A_74 = tpu.memref_slice %arg4[%mul3A_2, %dma_wait3A_73] : memref<2048x512xi32, #tpu.memory_space<hbm>> -> memref<32x512xi32, #tpu.memory_space<hbm>>
      %dma_wait3A_75 = arith.constant 0 : i32
      %dma_wait3A_76 = tpu.memref_slice %arg4[%mul3A_2, %dma_wait3A_75] : memref<2048x512xi32, #tpu.memory_space<hbm>> -> memref<32x512xi32, #tpu.memory_space<hbm>>
      %dma_wait3A_77 = arith.constant 0 : i32
      %dma_wait3A_78 = arith.constant 0 : i32
      %dma_wait3A_79 = tpu.memref_slice %arg6[%run_scoped3A_40, %dma_wait3A_77, %dma_wait3A_78] : memref<2x32x512xi32, #tpu.memory_space<vmem>> -> memref<1x32x512xi32, #tpu.memory_space<vmem>>
      %dma_wait3A_80 = tpu.memref_squeeze %dma_wait3A_79 : memref<1x32x512xi32, #tpu.memory_space<vmem>> -> memref<32x512xi32, #tpu.memory_space<vmem>>
      tpu.wait_dma2 semaphore(%run_scoped3A_56 : memref<!tpu.dma_semaphore, #tpu.memory_space<semaphore_mem>>) src(%dma_wait3A_80 : memref<32x512xi32, #tpu.memory_space<vmem>>) dst(%dma_wait3A_76 : memref<32x512xi32, #tpu.memory_space<hbm>>)
      tpu.yield
    }) : () -> ()
    %dma_wait3A_41 = arith.constant 1 : i32
    %dma_wait3A_42 = arith.constant 1 : i32
    %dma_wait3A_43 = arith.constant 0 : i32
    %dma_wait3A_44 = arith.constant 0 : i32
    %dma_wait3A_45 = tpu.memref_slice %arg6[%dma_wait3A_42, %dma_wait3A_43, %dma_wait3A_44] : memref<2x32x512xi32, #tpu.memory_space<vmem>> -> memref<1x32x512xi32, #tpu.memory_space<vmem>>
    %dma_wait3A_46 = tpu.memref_squeeze %dma_wait3A_45 : memref<1x32x512xi32, #tpu.memory_space<vmem>> -> memref<32x512xi32, #tpu.memory_space<vmem>>
    %dma_wait3A_47 = arith.constant 0 : i32
    %dma_wait3A_48 = tpu.memref_slice %arg5[%dma_wait3A_41, %dma_wait3A_47] : memref<2x32xi32, #tpu.memory_space<vmem>> -> memref<1x32xi32, #tpu.memory_space<vmem>>
    %dma_wait3A_49 = tpu.memref_squeeze %dma_wait3A_48 : memref<1x32xi32, #tpu.memory_space<vmem>> -> memref<32xi32, #tpu.memory_space<vmem>>
    %dma_wait3A_50 = arith.constant 0 : i32
    %dma_wait3A_51 = arith.constant 0 : i32
    %dma_wait3A_52 = tpu.memref_slice %arg2[%dma_wait3A_50, %dma_wait3A_51] : memref<3080x512xi32, #tpu.memory_space<hbm>> -> memref<3080x512xi32, #tpu.memory_space<hbm>>
    tpu.wait_indirect_dma semaphore(%arg8 : memref<!tpu.dma_semaphore, #tpu.memory_space<semaphore_mem>>) src(%dma_wait3A_52 : memref<3080x512xi32, #tpu.memory_space<hbm>>) dst(%dma_wait3A_46 : memref<32x512xi32, #tpu.memory_space<vmem>>)
    %add3A_53 = arith.constant 32 : i32
    %add3A_54 = arith.addi %mul3A_2, %add3A_53 : i32
    %run_scoped3A_55 = arith.constant 1 : i32
    "tpu.region"() ({
      %run_scoped3A_56 = tpu.sem_alloc : memref<!tpu.dma_semaphore, #tpu.memory_space<semaphore_mem>>
      %dma_start3A_57 = arith.constant 0 : i32
      %dma_start3A_58 = arith.constant 0 : i32
      %dma_start3A_59 = tpu.memref_slice %arg6[%run_scoped3A_55, %dma_start3A_57, %dma_start3A_58] : memref<2x32x512xi32, #tpu.memory_space<vmem>> -> memref<1x32x512xi32, #tpu.memory_space<vmem>>
      %dma_start3A_60 = tpu.memref_squeeze %dma_start3A_59 : memref<1x32x512xi32, #tpu.memory_space<vmem>> -> memref<32x512xi32, #tpu.memory_space<vmem>>
      %dma_start3A_61 = arith.constant 0 : i32
      %dma_start3A_62 = tpu.memref_slice %arg4[%add3A_54, %dma_start3A_61] : memref<2048x512xi32, #tpu.memory_space<hbm>> -> memref<32x512xi32, #tpu.memory_space<hbm>>
      %dma_start3A_63 = arith.constant 0 : i32
      %dma_start3A_64 = tpu.memref_slice %arg4[%add3A_54, %dma_start3A_63] : memref<2048x512xi32, #tpu.memory_space<hbm>> -> memref<32x512xi32, #tpu.memory_space<hbm>>
      %dma_start3A_65 = arith.constant 0 : i32
      %dma_start3A_66 = arith.constant 0 : i32
      %dma_start3A_67 = tpu.memref_slice %arg6[%run_scoped3A_55, %dma_start3A_65, %dma_start3A_66] : memref<2x32x512xi32, #tpu.memory_space<vmem>> -> memref<1x32x512xi32, #tpu.memory_space<vmem>>
      %dma_start3A_68 = tpu.memref_squeeze %dma_start3A_67 : memref<1x32x512xi32, #tpu.memory_space<vmem>> -> memref<32x512xi32, #tpu.memory_space<vmem>>
      tpu.enqueue_dma source(%dma_start3A_68 : memref<32x512xi32, #tpu.memory_space<vmem>>) target(%dma_start3A_64 : memref<32x512xi32, #tpu.memory_space<hbm>>) target_semaphore(%run_scoped3A_56 : memref<!tpu.dma_semaphore, #tpu.memory_space<semaphore_mem>>)
      %dma_wait3A_69 = arith.constant 0 : i32
      %dma_wait3A_70 = arith.constant 0 : i32
      %dma_wait3A_71 = tpu.memref_slice %arg6[%run_scoped3A_55, %dma_wait3A_69, %dma_wait3A_70] : memref<2x32x512xi32, #tpu.memory_space<vmem>> -> memref<1x32x512xi32, #tpu.memory_space<vmem>>
      %dma_wait3A_72 = tpu.memref_squeeze %dma_wait3A_71 : memref<1x32x512xi32, #tpu.memory_space<vmem>> -> memref<32x512xi32, #tpu.memory_space<vmem>>
      %dma_wait3A_73 = arith.constant 0 : i32
      %dma_wait3A_74 = tpu.memref_slice %arg4[%add3A_54, %dma_wait3A_73] : memref<2048x512xi32, #tpu.memory_space<hbm>> -> memref<32x512xi32, #tpu.memory_space<hbm>>
      %dma_wait3A_75 = arith.constant 0 : i32
      %dma_wait3A_76 = tpu.memref_slice %arg4[%add3A_54, %dma_wait3A_75] : memref<2048x512xi32, #tpu.memory_space<hbm>> -> memref<32x512xi32, #tpu.memory_space<hbm>>
      %dma_wait3A_77 = arith.constant 0 : i32
      %dma_wait3A_78 = arith.constant 0 : i32
      %dma_wait3A_79 = tpu.memref_slice %arg6[%run_scoped3A_55, %dma_wait3A_77, %dma_wait3A_78] : memref<2x32x512xi32, #tpu.memory_space<vmem>> -> memref<1x32x512xi32, #tpu.memory_space<vmem>>
      %dma_wait3A_80 = tpu.memref_squeeze %dma_wait3A_79 : memref<1x32x512xi32, #tpu.memory_space<vmem>> -> memref<32x512xi32, #tpu.memory_space<vmem>>
      tpu.wait_dma2 semaphore(%run_scoped3A_56 : memref<!tpu.dma_semaphore, #tpu.memory_space<semaphore_mem>>) src(%dma_wait3A_80 : memref<32x512xi32, #tpu.memory_space<vmem>>) dst(%dma_wait3A_76 : memref<32x512xi32, #tpu.memory_space<hbm>>)
      tpu.yield
    }) : () -> ()
    return
  }
}

module attributes {stable_mosaic.version = 14 : i64} {
  func.func @_router_body(%arg0: i32, %arg1: memref<512x1024xf32, #tpu.memory_space<vmem>>, %arg2: memref<1x1024xf32, #tpu.memory_space<vmem>>, %arg3: memref<1x1024xf32, #tpu.memory_space<vmem>>, %arg4: memref<1024x8xf32, #tpu.memory_space<vmem>>, %arg5: memref<512x512xi32, #tpu.memory_space<vmem>>, %arg6: memref<512x8xf32, #tpu.memory_space<vmem>>, %arg7: memref<512x1xi32, #tpu.memory_space<vmem>>, %arg8: memref<512x1xf32, #tpu.memory_space<vmem>>, %arg9: memref<512x1xi32, #tpu.memory_space<vmem>>, %arg10: memref<1x8xf32, #tpu.memory_space<vmem>>) attributes {dimension_semantics = [#tpu.dimension_semantics<arbitrary>], iteration_bounds = array<i64: 4>, scalar_prefetch = 0 : i64, scratch_operands = 1 : i64, tpu.core_type = #tpu.core_type<tc>, window_params = [{transform_indices = @transform_0, window_bounds = array<i64: 512, 1024>}, {pipeline_mode = #tpu.pipeline_mode<synchronous>, transform_indices = @transform_1, window_bounds = array<i64: 1, 1024>}, {pipeline_mode = #tpu.pipeline_mode<synchronous>, transform_indices = @transform_2, window_bounds = array<i64: 1, 1024>}, {pipeline_mode = #tpu.pipeline_mode<synchronous>, transform_indices = @transform_3, window_bounds = array<i64: 1024, 8>}, {transform_indices = @transform_4, window_bounds = array<i64: 512, 512>}, {transform_indices = @transform_5, window_bounds = array<i64: 512, 8>}, {transform_indices = @transform_6, window_bounds = array<i64: 512, 1>}, {transform_indices = @transform_7, window_bounds = array<i64: 512, 1>}, {transform_indices = @transform_8, window_bounds = array<i64: 512, 1>}]} {
    %eq3A = arith.constant 0 : i32
    %eq3A_0 = arith.cmpi eq, %arg0, %eq3A : i32
    %convert_element_type3A = arith.extui %eq3A_0 : i1 to i32
    %cond3A = arith.constant 0 : i32
    %cond3A_1 = arith.cmpi ne, %convert_element_type3A, %cond3A : i32
    scf.if %cond3A_1 {
      %broadcast_in_dim3A_121 = arith.constant 0.000000e+00 : f32
      %broadcast_in_dim3A_122 = vector.broadcast %broadcast_in_dim3A_121 : f32 to vector<1x8xf32>
      %swap3A_123 = arith.constant 0 : index
      %swap3A_124 = arith.constant 0 : index
      %swap3A_125 = vector.load %arg10[%swap3A_123, %swap3A_124] : memref<1x8xf32, #tpu.memory_space<vmem>>, vector<1x8xf32>
      tpu.vector_store %arg10[%swap3A_123, %swap3A_124], %broadcast_in_dim3A_122 {strides = array<i32>} : memref<1x8xf32, #tpu.memory_space<vmem>>, vector<1x8xf32>,
    } else {
    }
    %get3A = arith.constant 0 : index
    %get3A_2 = arith.constant 0 : index
    %get3A_3 = vector.load %arg1[%get3A, %get3A_2] : memref<512x1024xf32, #tpu.memory_space<vmem>>, vector<512x1024xf32>
    %reduce_sum3A = arith.constant dense<0.000000e+00> : vector<512xf32>
    %reduce_sum3A_4 = vector.multi_reduction <add>, %get3A_3, %reduce_sum3A [1] : vector<512x1024xf32> to vector<512xf32>
    %broadcast_in_dim3A = vector.shape_cast %reduce_sum3A_4 : vector<512xf32> to vector<512x1xf32>
    %div3A = arith.constant 1.024000e+03 : f32
    %div3A_5 = vector.broadcast %div3A : f32 to vector<512x1xf32>
    %div3A_6 = arith.divf %broadcast_in_dim3A, %div3A_5 : vector<512x1xf32>
    %jit3A = arith.constant 0 : i32
    %reduce_sum3A_7 = arith.constant dense<0.000000e+00> : vector<512xf32>
    %reduce_sum3A_8 = vector.multi_reduction <add>, %get3A_3, %reduce_sum3A_7 [1] : vector<512x1024xf32> to vector<512xf32>
    %broadcast_in_dim3A_9 = vector.shape_cast %reduce_sum3A_8 : vector<512xf32> to vector<512x1xf32>
    %div3A_10 = arith.constant 1.024000e+03 : f32
    %div3A_11 = vector.broadcast %div3A_10 : f32 to vector<512x1xf32>
    %div3A_12 = arith.divf %broadcast_in_dim3A_9, %div3A_11 : vector<512x1xf32>
    %sub3A = vector.broadcast %div3A_12 : vector<512x1xf32> to vector<512x1024xf32>
    %sub3A_13 = arith.subf %get3A_3, %sub3A : vector<512x1024xf32>
    %square3A = arith.mulf %sub3A_13, %sub3A_13 : vector<512x1024xf32>
    %convert_element_type3A_14 = arith.sitofp %jit3A : i32 to f32
    %sub3A_15 = arith.constant 1.024000e+03 : f32
    %sub3A_16 = arith.subf %sub3A_15, %convert_element_type3A_14 : f32
    %reduce_sum3A_17 = arith.constant dense<0.000000e+00> : vector<512xf32>
    %reduce_sum3A_18 = vector.multi_reduction <add>, %square3A, %reduce_sum3A_17 [1] : vector<512x1024xf32> to vector<512xf32>
    %broadcast_in_dim3A_19 = vector.shape_cast %reduce_sum3A_18 : vector<512xf32> to vector<512x1xf32>
    %div3A_20 = vector.broadcast %sub3A_16 : f32 to vector<512x1xf32>
    %div3A_21 = arith.divf %broadcast_in_dim3A_19, %div3A_20 : vector<512x1xf32>
    %gt3A = arith.constant 0.000000e+00 : f32
    %gt3A_22 = arith.cmpf ogt, %sub3A_16, %gt3A : f32
    %jit3A_23 = arith.constant 0x7FC00000 : f32
    %broadcast_in_dim3A_24 = vector.broadcast %jit3A_23 : f32 to vector<512x1xf32>
    %select_n3A = arith.select %gt3A_22, %div3A_21, %broadcast_in_dim3A_24 : vector<512x1xf32>
    %sub3A_25 = vector.broadcast %div3A_6 : vector<512x1xf32> to vector<512x1024xf32>
    %sub3A_26 = arith.subf %get3A_3, %sub3A_25 : vector<512x1024xf32>
    %add3A = arith.constant 9.99999974E-6 : f32
    %add3A_27 = vector.broadcast %add3A : f32 to vector<512x1xf32>
    %add3A_28 = arith.addf %select_n3A, %add3A_27 : vector<512x1xf32>
    %sqrt3A = math.sqrt %add3A_28 : vector<512x1xf32>
    %div3A_29 = vector.broadcast %sqrt3A : vector<512x1xf32> to vector<512x1024xf32>
    %div3A_30 = arith.divf %sub3A_26, %div3A_29 : vector<512x1024xf32>
    %get3A_31 = arith.constant 0 : index
    %get3A_32 = arith.constant 0 : index
    %get3A_33 = vector.load %arg2[%get3A_31, %get3A_32] : memref<1x1024xf32, #tpu.memory_space<vmem>>, vector<1x1024xf32>
    %mul3A = vector.broadcast %get3A_33 : vector<1x1024xf32> to vector<512x1024xf32>
    %mul3A_34 = arith.mulf %div3A_30, %mul3A : vector<512x1024xf32>
    %get3A_35 = arith.constant 0 : index
    %get3A_36 = arith.constant 0 : index
    %get3A_37 = vector.load %arg3[%get3A_35, %get3A_36] : memref<1x1024xf32, #tpu.memory_space<vmem>>, vector<1x1024xf32>
    %add3A_38 = vector.broadcast %get3A_37 : vector<1x1024xf32> to vector<512x1024xf32>
    %add3A_39 = arith.addf %mul3A_34, %add3A_38 : vector<512x1024xf32>
    %slice3A = vector.extract_strided_slice %add3A_39 {offsets = [0, 0], sizes = [512, 512], strides = [1, 1]} : vector<512x1024xf32> to vector<512x512xf32>
    %slice3A_40 = vector.extract_strided_slice %add3A_39 {offsets = [0, 512], sizes = [512, 512], strides = [1, 1]} : vector<512x1024xf32> to vector<512x512xf32>
    %convert_element_type3A_41 = arith.truncf %slice3A : vector<512x512xf32> to vector<512x512xbf16>
    %bitcast_convert_type3A = tpu.bitcast %convert_element_type3A_41 : vector<512x512xbf16> -> vector<512x512xi16>
    %convert_element_type3A_42 = arith.truncf %slice3A_40 : vector<512x512xf32> to vector<512x512xbf16>
    %bitcast_convert_type3A_43 = tpu.bitcast %convert_element_type3A_42 : vector<512x512xbf16> -> vector<512x512xi16>
    %convert_element_type3A_44 = arith.extui %bitcast_convert_type3A : vector<512x512xi16> to vector<512x512xi32>
    %convert_element_type3A_45 = arith.extui %bitcast_convert_type3A_43 : vector<512x512xi16> to vector<512x512xi32>
    %shift_left3A = arith.constant 16 : i32
    %shift_left3A_46 = vector.broadcast %shift_left3A : i32 to vector<512x512xi32>
    %shift_left3A_47 = arith.shli %convert_element_type3A_45, %shift_left3A_46 : vector<512x512xi32>
    %or3A = arith.ori %convert_element_type3A_44, %shift_left3A_47 : vector<512x512xi32>
    %swap3A = arith.constant 0 : index
    %swap3A_48 = arith.constant 0 : index
    %swap3A_49 = vector.load %arg5[%swap3A, %swap3A_48] : memref<512x512xi32, #tpu.memory_space<vmem>>, vector<512x512xi32>
    tpu.vector_store %arg5[%swap3A, %swap3A_48], %or3A {strides = array<i32>} : memref<512x512xi32, #tpu.memory_space<vmem>>, vector<512x512xi32>,
    %get3A_50 = arith.constant 0 : index
    %get3A_51 = arith.constant 0 : index
    %get3A_52 = vector.load %arg4[%get3A_50, %get3A_51] : memref<1024x8xf32, #tpu.memory_space<vmem>>, vector<1024x8xf32>
    %dot_general3A = arith.constant dense<0.000000e+00> : vector<512x8xf32>
    %dot_general3A_53 = tpu.matmul %add3A_39, %get3A_52, %dot_general3A {dimension_numbers = #tpu.dot_dimension_numbers<[1], [0], [0], [1], [0, 0, 1, 1], [], []>, transpose_lhs_hint = false} : vector<512x1024xf32>, vector<1024x8xf32>, vector<512x8xf32> -> vector<512x8xf32>
    %swap3A_54 = arith.constant 0 : index
    %swap3A_55 = arith.constant 0 : index
    %swap3A_56 = vector.load %arg6[%swap3A_54, %swap3A_55] : memref<512x8xf32, #tpu.memory_space<vmem>>, vector<512x8xf32>
    tpu.vector_store %arg6[%swap3A_54, %swap3A_55], %dot_general3A_53 {strides = array<i32>} : memref<512x8xf32, #tpu.memory_space<vmem>>, vector<512x8xf32>,
    %reduce_max3A = arith.constant dense<0xFF800000> : vector<512xf32>
    %reduce_max3A_57 = vector.multi_reduction <maximumf>, %dot_general3A_53, %reduce_max3A [1] : vector<512x8xf32> to vector<512xf32>
    %max3A = arith.constant 0xFF800000 : f32
    %max3A_58 = vector.broadcast %max3A : f32 to vector<512xf32>
    %max3A_59 = arith.maximumf %max3A_58, %reduce_max3A_57 : vector<512xf32>
    %broadcast_in_dim3A_60 = vector.shape_cast %max3A_59 : vector<512xf32> to vector<512x1xf32>
    %sub3A_61 = vector.broadcast %broadcast_in_dim3A_60 : vector<512x1xf32> to vector<512x8xf32>
    %sub3A_62 = arith.subf %dot_general3A_53, %sub3A_61 : vector<512x8xf32>
    %exp3A = math.exp %sub3A_62 : vector<512x8xf32>
    %reduce_sum3A_63 = arith.constant dense<0.000000e+00> : vector<512xf32>
    %reduce_sum3A_64 = vector.multi_reduction <add>, %exp3A, %reduce_sum3A_63 [1] : vector<512x8xf32> to vector<512xf32>
    %broadcast_in_dim3A_65 = vector.shape_cast %reduce_sum3A_64 : vector<512xf32> to vector<512x1xf32>
    %div3A_66 = vector.broadcast %broadcast_in_dim3A_65 : vector<512x1xf32> to vector<512x8xf32>
    %div3A_67 = arith.divf %exp3A, %div3A_66 : vector<512x8xf32>
    %argmax3A = tpu.reduce_index %div3A_67 {axis = 1 : i32, kind = #tpu.reduction_kind<arg_max>} : vector<512x8xf32> -> vector<512xi32>
    %broadcast_in_dim3A_68 = vector.shape_cast %argmax3A : vector<512xi32> to vector<512x1xi32>
    %swap3A_69 = arith.constant 0 : index
    %swap3A_70 = arith.constant 0 : index
    %swap3A_71 = vector.load %arg7[%swap3A_69, %swap3A_70] : memref<512x1xi32, #tpu.memory_space<vmem>>, vector<512x1xi32>
    tpu.vector_store %arg7[%swap3A_69, %swap3A_70], %broadcast_in_dim3A_68 {strides = array<i32>} : memref<512x1xi32, #tpu.memory_space<vmem>>, vector<512x1xi32>,
    %reduce_max3A_72 = arith.constant dense<0xFF800000> : vector<512xf32>
    %reduce_max3A_73 = vector.multi_reduction <maximumf>, %div3A_67, %reduce_max3A_72 [1] : vector<512x8xf32> to vector<512xf32>
    %broadcast_in_dim3A_74 = vector.shape_cast %reduce_max3A_73 : vector<512xf32> to vector<512x1xf32>
    %swap3A_75 = arith.constant 0 : index
    %swap3A_76 = arith.constant 0 : index
    %swap3A_77 = vector.load %arg8[%swap3A_75, %swap3A_76] : memref<512x1xf32, #tpu.memory_space<vmem>>, vector<512x1xf32>
    tpu.vector_store %arg8[%swap3A_75, %swap3A_76], %broadcast_in_dim3A_74 {strides = array<i32>} : memref<512x1xf32, #tpu.memory_space<vmem>>, vector<512x1xf32>,
    %iota3A = tpu.iota {dimensions = array<i32: 1>} : vector<512x8xi32>
    %broadcast_in_dim3A_78 = vector.shape_cast %argmax3A : vector<512xi32> to vector<512x1xi32>
    %eq3A_79 = vector.broadcast %broadcast_in_dim3A_78 : vector<512x1xi32> to vector<512x8xi32>
    %eq3A_80 = arith.cmpi eq, %iota3A, %eq3A_79 : vector<512x8xi32>
    %convert_element_type3A_81 = arith.extui %eq3A_80 : vector<512x8xi1> to vector<512x8xi32>
    %convert_element_type3A_82 = arith.sitofp %convert_element_type3A_81 : vector<512x8xi32> to vector<512x8xf32>
    %iota3A_83 = tpu.iota {dimensions = array<i32: 0>} : vector<512x512xi32>
    %iota3A_84 = tpu.iota {dimensions = array<i32: 1>} : vector<512x512xi32>
    %ge3A = arith.cmpi sge, %iota3A_83, %iota3A_84 : vector<512x512xi32>
    %convert_element_type3A_85 = arith.extui %ge3A : vector<512x512xi1> to vector<512x512xi32>
    %convert_element_type3A_86 = arith.sitofp %convert_element_type3A_85 : vector<512x512xi32> to vector<512x512xf32>
    %convert_element_type3A_87 = arith.truncf %convert_element_type3A_86 : vector<512x512xf32> to vector<512x512xbf16>
    %convert_element_type3A_88 = arith.truncf %convert_element_type3A_82 : vector<512x8xf32> to vector<512x8xbf16>
    %dot_general3A_89 = arith.constant dense<0.000000e+00> : vector<512x8xf32>
    %dot_general3A_90 = tpu.matmul %convert_element_type3A_87, %convert_element_type3A_88, %dot_general3A_89 {dimension_numbers = #tpu.dot_dimension_numbers<[1], [0], [0], [1], [0, 0, 1, 1], [], []>, transpose_lhs_hint = false} : vector<512x512xbf16>, vector<512x8xbf16>, vector<512x8xf32> -> vector<512x8xf32>
    %get3A_91 = arith.constant 0 : index
    %get3A_92 = arith.constant 0 : index
    %get3A_93 = vector.load %arg10[%get3A_91, %get3A_92] : memref<1x8xf32, #tpu.memory_space<vmem>>, vector<1x8xf32>
    %add3A_94 = vector.broadcast %get3A_93 : vector<1x8xf32> to vector<512x8xf32>
    %add3A_95 = arith.addf %dot_general3A_90, %add3A_94 : vector<512x8xf32>
    %slice3A_96 = vector.extract_strided_slice %add3A_95 {offsets = [511, 0], sizes = [1, 8], strides = [1, 1]} : vector<512x8xf32> to vector<1x8xf32>
    %swap3A_97 = arith.constant 0 : index
    %swap3A_98 = arith.constant 0 : index
    %swap3A_99 = vector.load %arg10[%swap3A_97, %swap3A_98] : memref<1x8xf32, #tpu.memory_space<vmem>>, vector<1x8xf32>
    tpu.vector_store %arg10[%swap3A_97, %swap3A_98], %slice3A_96 {strides = array<i32>} : memref<1x8xf32, #tpu.memory_space<vmem>>, vector<1x8xf32>,
    %mul3A_100 = arith.mulf %add3A_95, %convert_element_type3A_82 : vector<512x8xf32>
    %reduce_sum3A_101 = arith.constant dense<0.000000e+00> : vector<512xf32>
    %reduce_sum3A_102 = vector.multi_reduction <add>, %mul3A_100, %reduce_sum3A_101 [1] : vector<512x8xf32> to vector<512xf32>
    %broadcast_in_dim3A_103 = vector.shape_cast %reduce_sum3A_102 : vector<512xf32> to vector<512x1xf32>
    %le3A = arith.constant 3.840000e+02 : f32
    %le3A_104 = vector.broadcast %le3A : f32 to vector<512x1xf32>
    %le3A_105 = arith.cmpf ole, %broadcast_in_dim3A_103, %le3A_104 : vector<512x1xf32>
    %broadcast_in_dim3A_106 = vector.shape_cast %argmax3A : vector<512xi32> to vector<512x1xi32>
    %mul3A_107 = arith.constant 384 : i32
    %mul3A_108 = vector.broadcast %mul3A_107 : i32 to vector<512x1xi32>
    %mul3A_109 = arith.muli %broadcast_in_dim3A_106, %mul3A_108 : vector<512x1xi32>
    %convert_element_type3A_110 = arith.fptosi %broadcast_in_dim3A_103 : vector<512x1xf32> to vector<512x1xi32>
    %add3A_111 = arith.addi %mul3A_109, %convert_element_type3A_110 : vector<512x1xi32>
    %sub3A_112 = arith.constant 1 : i32
    %sub3A_113 = vector.broadcast %sub3A_112 : i32 to vector<512x1xi32>
    %sub3A_114 = arith.subi %add3A_111, %sub3A_113 : vector<512x1xi32>
    %jit3A_115 = arith.constant 3072 : i32
    %broadcast_in_dim3A_116 = vector.broadcast %jit3A_115 : i32 to vector<512x1xi32>
    %select_n3A_117 = arith.select %le3A_105, %sub3A_114, %broadcast_in_dim3A_116 : vector<512x1xi1>, vector<512x1xi32>
    %swap3A_118 = arith.constant 0 : index
    %swap3A_119 = arith.constant 0 : index
    %swap3A_120 = vector.load %arg9[%swap3A_118, %swap3A_119] : memref<512x1xi32, #tpu.memory_space<vmem>>, vector<512x1xi32>
    tpu.vector_store %arg9[%swap3A_118, %swap3A_119], %select_n3A_117 {strides = array<i32>} : memref<512x1xi32, #tpu.memory_space<vmem>>, vector<512x1xi32>,
    return
  }
  func.func @transform_0(%arg0: i32) -> (i32, i32) {
    %c0_i32 = arith.constant 0 : i32
    %c0_i32_0 = arith.constant 0 : i32
    return %arg0, %c0_i32 : i32, i32
  }
  func.func @transform_1(%arg0: i32) -> (i32, i32) {
    %c0_i32 = arith.constant 0 : i32
    %c0_i32_0 = arith.constant 0 : i32
    %c0_i32_1 = arith.constant 0 : i32
    return %c0_i32, %c0_i32_0 : i32, i32
  }
  func.func @transform_2(%arg0: i32) -> (i32, i32) {
    %c0_i32 = arith.constant 0 : i32
    %c0_i32_0 = arith.constant 0 : i32
    %c0_i32_1 = arith.constant 0 : i32
    return %c0_i32, %c0_i32_0 : i32, i32
  }
  func.func @transform_3(%arg0: i32) -> (i32, i32) {
    %c0_i32 = arith.constant 0 : i32
    %c0_i32_0 = arith.constant 0 : i32
    %c0_i32_1 = arith.constant 0 : i32
    return %c0_i32, %c0_i32_0 : i32, i32
  }
  func.func @transform_4(%arg0: i32) -> (i32, i32) {
    %c0_i32 = arith.constant 0 : i32
    %c0_i32_0 = arith.constant 0 : i32
    return %arg0, %c0_i32 : i32, i32
  }
  func.func @transform_5(%arg0: i32) -> (i32, i32) {
    %c0_i32 = arith.constant 0 : i32
    %c0_i32_0 = arith.constant 0 : i32
    return %arg0, %c0_i32 : i32, i32
  }
  func.func @transform_6(%arg0: i32) -> (i32, i32) {
    %c0_i32 = arith.constant 0 : i32
    %c0_i32_0 = arith.constant 0 : i32
    return %arg0, %c0_i32 : i32, i32
  }
  func.func @transform_7(%arg0: i32) -> (i32, i32) {
    %c0_i32 = arith.constant 0 : i32
    %c0_i32_0 = arith.constant 0 : i32
    return %arg0, %c0_i32 : i32, i32
  }
  func.func @transform_8(%arg0: i32) -> (i32, i32) {
    %c0_i32 = arith.constant 0 : i32
    %c0_i32_0 = arith.constant 0 : i32
    return %arg0, %c0_i32 : i32, i32
  }
}

module attributes {stable_mosaic.version = 14 : i64} {
  func.func @_ffn_body(%arg0: i32, %arg1: i32, %arg2: memref<384x512xi32, #tpu.memory_space<vmem>>, %arg3: memref<1x1024x1024xf32, #tpu.memory_space<vmem>>, %arg4: memref<1x1024x1024xf32, #tpu.memory_space<vmem>>, %arg5: memref<384x512xi32, #tpu.memory_space<vmem>>, %arg6: memref<384x1024xf32, #tpu.memory_space<vmem>>) attributes {dimension_semantics = [#tpu.dimension_semantics<arbitrary>, #tpu.dimension_semantics<arbitrary>], iteration_bounds = array<i64: 8, 2>, scalar_prefetch = 0 : i64, scratch_operands = 1 : i64, tpu.core_type = #tpu.core_type<tc>, window_params = [{transform_indices = @transform_0, window_bounds = array<i64: 384, 512>}, {transform_indices = @transform_1, window_bounds = array<i64: 1, 1024, 1024>}, {transform_indices = @transform_2, window_bounds = array<i64: 1, 1024, 1024>}, {transform_indices = @transform_3, window_bounds = array<i64: 384, 512>}]} {
    %get3A = arith.constant 0 : index
    %get3A_0 = arith.constant 0 : index
    %get3A_1 = vector.load %arg2[%get3A, %get3A_0] : memref<384x512xi32, #tpu.memory_space<vmem>>, vector<384x512xi32>
    %and3A = arith.constant 65535 : i32
    %and3A_2 = vector.broadcast %and3A : i32 to vector<384x512xi32>
    %and3A_3 = arith.andi %get3A_1, %and3A_2 : vector<384x512xi32>
    %convert_element_type3A = arith.trunci %and3A_3 : vector<384x512xi32> to vector<384x512xi16>
    %bitcast_convert_type3A = tpu.bitcast %convert_element_type3A : vector<384x512xi16> -> vector<384x512xbf16>
    %shift_right_logical3A = arith.constant 16 : i32
    %shift_right_logical3A_4 = vector.broadcast %shift_right_logical3A : i32 to vector<384x512xi32>
    %shift_right_logical3A_5 = arith.shrui %get3A_1, %shift_right_logical3A_4 : vector<384x512xi32>
    %convert_element_type3A_6 = arith.trunci %shift_right_logical3A_5 : vector<384x512xi32> to vector<384x512xi16>
    %bitcast_convert_type3A_7 = tpu.bitcast %convert_element_type3A_6 : vector<384x512xi16> -> vector<384x512xbf16>
    %get3A_8 = arith.constant 0 : index
    %get3A_9 = arith.constant 0 : index
    %get3A_10 = arith.constant 0 : index
    %get3A_11 = vector.load %arg3[%get3A_8, %get3A_9, %get3A_10] : memref<1x1024x1024xf32, #tpu.memory_space<vmem>>, vector<1x1024x1024xf32>
    %get3A_12 = vector.shape_cast %get3A_11 : vector<1x1024x1024xf32> to vector<1024x1024xf32>
    %convert_element_type3A_13 = arith.truncf %get3A_12 : vector<1024x1024xf32> to vector<1024x1024xbf16>
    %get3A_14 = arith.constant 0 : index
    %get3A_15 = arith.constant 0 : index
    %get3A_16 = arith.constant 0 : index
    %get3A_17 = vector.load %arg4[%get3A_14, %get3A_15, %get3A_16] : memref<1x1024x1024xf32, #tpu.memory_space<vmem>>, vector<1x1024x1024xf32>
    %get3A_18 = vector.shape_cast %get3A_17 : vector<1x1024x1024xf32> to vector<1024x1024xf32>
    %convert_element_type3A_19 = arith.truncf %get3A_18 : vector<1024x1024xf32> to vector<1024x1024xbf16>
    %slice3A = vector.extract_strided_slice %convert_element_type3A_13 {offsets = [0, 0], sizes = [512, 1024], strides = [1, 1]} : vector<1024x1024xbf16> to vector<512x1024xbf16>
    %dot_general3A = arith.constant dense<0.000000e+00> : vector<384x1024xf32>
    %dot_general3A_20 = tpu.matmul %bitcast_convert_type3A, %slice3A, %dot_general3A {dimension_numbers = #tpu.dot_dimension_numbers<[1], [0], [0], [1], [0, 0, 1, 1], [], []>, transpose_lhs_hint = false} : vector<384x512xbf16>, vector<512x1024xbf16>, vector<384x1024xf32> -> vector<384x1024xf32>
    %slice3A_21 = vector.extract_strided_slice %convert_element_type3A_13 {offsets = [512, 0], sizes = [512, 1024], strides = [1, 1]} : vector<1024x1024xbf16> to vector<512x1024xbf16>
    %dot_general3A_22 = arith.constant dense<0.000000e+00> : vector<384x1024xf32>
    %dot_general3A_23 = tpu.matmul %bitcast_convert_type3A_7, %slice3A_21, %dot_general3A_22 {dimension_numbers = #tpu.dot_dimension_numbers<[1], [0], [0], [1], [0, 0, 1, 1], [], []>, transpose_lhs_hint = false} : vector<384x512xbf16>, vector<512x1024xbf16>, vector<384x1024xf32> -> vector<384x1024xf32>
    %add3A = arith.addf %dot_general3A_20, %dot_general3A_23 : vector<384x1024xf32>
    %mul3A = arith.constant 5.000000e-01 : f32
    %mul3A_24 = vector.broadcast %mul3A : f32 to vector<384x1024xf32>
    %mul3A_25 = arith.mulf %mul3A_24, %add3A : vector<384x1024xf32>
    %mul3A_26 = arith.constant 4.471500e-02 : f32
    %mul3A_27 = vector.broadcast %mul3A_26 : f32 to vector<384x1024xf32>
    %mul3A_28 = arith.mulf %mul3A_27, %add3A : vector<384x1024xf32>
    %mul3A_29 = arith.mulf %mul3A_28, %add3A : vector<384x1024xf32>
    %mul3A_30 = arith.mulf %mul3A_29, %add3A : vector<384x1024xf32>
    %add3A_31 = arith.addf %add3A, %mul3A_30 : vector<384x1024xf32>
    %mul3A_32 = arith.constant 0.797884583 : f32
    %mul3A_33 = vector.broadcast %mul3A_32 : f32 to vector<384x1024xf32>
    %mul3A_34 = arith.mulf %mul3A_33, %add3A_31 : vector<384x1024xf32>
    %tanh3A = math.tanh %mul3A_34 : vector<384x1024xf32>
    %add3A_35 = arith.constant 1.000000e+00 : f32
    %add3A_36 = vector.broadcast %add3A_35 : f32 to vector<384x1024xf32>
    %add3A_37 = arith.addf %add3A_36, %tanh3A : vector<384x1024xf32>
    %mul3A_38 = arith.mulf %mul3A_25, %add3A_37 : vector<384x1024xf32>
    %convert_element_type3A_39 = arith.truncf %mul3A_38 : vector<384x1024xf32> to vector<384x1024xbf16>
    %dot_general3A_40 = arith.constant dense<0.000000e+00> : vector<384x1024xf32>
    %dot_general3A_41 = tpu.matmul %convert_element_type3A_39, %convert_element_type3A_19, %dot_general3A_40 {dimension_numbers = #tpu.dot_dimension_numbers<[1], [0], [0], [1], [0, 0, 1, 1], [], []>, transpose_lhs_hint = false} : vector<384x1024xbf16>, vector<1024x1024xbf16>, vector<384x1024xf32> -> vector<384x1024xf32>
    %eq3A = arith.constant 0 : i32
    %eq3A_42 = arith.cmpi eq, %arg1, %eq3A : i32
    %convert_element_type3A_43 = arith.extui %eq3A_42 : i1 to i32
    %cond3A = arith.constant 0 : i32
    %cond3A_44 = arith.cmpi ne, %convert_element_type3A_43, %cond3A : i32
    scf.if %cond3A_44 {
      %swap3A = arith.constant 0 : index
      %swap3A_50 = arith.constant 0 : index
      %swap3A_51 = vector.load %arg6[%swap3A, %swap3A_50] : memref<384x1024xf32, #tpu.memory_space<vmem>>, vector<384x1024xf32>
      tpu.vector_store %arg6[%swap3A, %swap3A_50], %dot_general3A_41 {strides = array<i32>} : memref<384x1024xf32, #tpu.memory_space<vmem>>, vector<384x1024xf32>,
    } else {
    }
    %eq3A_45 = arith.constant 1 : i32
    %eq3A_46 = arith.cmpi eq, %arg1, %eq3A_45 : i32
    %convert_element_type3A_47 = arith.extui %eq3A_46 : i1 to i32
    %cond3A_48 = arith.constant 0 : i32
    %cond3A_49 = arith.cmpi ne, %convert_element_type3A_47, %cond3A_48 : i32
    scf.if %cond3A_49 {
      %get3A_50 = arith.constant 0 : index
      %get3A_51 = arith.constant 0 : index
      %get3A_52 = vector.load %arg6[%get3A_50, %get3A_51] : memref<384x1024xf32, #tpu.memory_space<vmem>>, vector<384x1024xf32>
      %add3A_53 = arith.addf %get3A_52, %dot_general3A_41 : vector<384x1024xf32>
      %slice3A_54 = vector.extract_strided_slice %add3A_53 {offsets = [0, 0], sizes = [384, 512], strides = [1, 1]} : vector<384x1024xf32> to vector<384x512xf32>
      %slice3A_55 = vector.extract_strided_slice %add3A_53 {offsets = [0, 512], sizes = [384, 512], strides = [1, 1]} : vector<384x1024xf32> to vector<384x512xf32>
      %convert_element_type3A_56 = arith.truncf %slice3A_54 : vector<384x512xf32> to vector<384x512xbf16>
      %bitcast_convert_type3A_57 = tpu.bitcast %convert_element_type3A_56 : vector<384x512xbf16> -> vector<384x512xi16>
      %convert_element_type3A_58 = arith.truncf %slice3A_55 : vector<384x512xf32> to vector<384x512xbf16>
      %bitcast_convert_type3A_59 = tpu.bitcast %convert_element_type3A_58 : vector<384x512xbf16> -> vector<384x512xi16>
      %convert_element_type3A_60 = arith.extui %bitcast_convert_type3A_57 : vector<384x512xi16> to vector<384x512xi32>
      %convert_element_type3A_61 = arith.extui %bitcast_convert_type3A_59 : vector<384x512xi16> to vector<384x512xi32>
      %shift_left3A = arith.constant 16 : i32
      %shift_left3A_62 = vector.broadcast %shift_left3A : i32 to vector<384x512xi32>
      %shift_left3A_63 = arith.shli %convert_element_type3A_61, %shift_left3A_62 : vector<384x512xi32>
      %or3A = arith.ori %convert_element_type3A_60, %shift_left3A_63 : vector<384x512xi32>
      %swap3A = arith.constant 0 : index
      %swap3A_64 = arith.constant 0 : index
      %swap3A_65 = vector.load %arg5[%swap3A, %swap3A_64] : memref<384x512xi32, #tpu.memory_space<vmem>>, vector<384x512xi32>
      tpu.vector_store %arg5[%swap3A, %swap3A_64], %or3A {strides = array<i32>} : memref<384x512xi32, #tpu.memory_space<vmem>>, vector<384x512xi32>,
    } else {
    }
    return
  }
  func.func @transform_0(%arg0: i32, %arg1: i32) -> (i32, i32) {
    %c0_i32 = arith.constant 0 : i32
    %c0_i32_0 = arith.constant 0 : i32
    return %arg0, %c0_i32 : i32, i32
  }
  func.func @transform_1(%arg0: i32, %arg1: i32) -> (i32, i32, i32) {
    %c0_i32 = arith.constant 0 : i32
    %c0_i32_0 = arith.constant 0 : i32
    return %arg0, %c0_i32, %arg1 : i32, i32, i32
  }
  func.func @transform_2(%arg0: i32, %arg1: i32) -> (i32, i32, i32) {
    %c0_i32 = arith.constant 0 : i32
    %c0_i32_0 = arith.constant 0 : i32
    return %arg0, %arg1, %c0_i32 : i32, i32, i32
  }
  func.func @transform_3(%arg0: i32, %arg1: i32) -> (i32, i32) {
    %c0_i32 = arith.constant 0 : i32
    %c0_i32_0 = arith.constant 0 : i32
    return %arg0, %c0_i32 : i32, i32
  }
}

module attributes {stable_mosaic.version = 14 : i64} {
  func.func @_combine_body(%arg0: i32, %arg1: memref<512x1024xf32, #tpu.memory_space<vmem>>, %arg2: memref<512x512xi32, #tpu.memory_space<vmem>>, %arg3: memref<512x1xf32, #tpu.memory_space<vmem>>, %arg4: memref<512x1xi32, #tpu.memory_space<vmem>>, %arg5: memref<1x1024xf32, #tpu.memory_space<vmem>>, %arg6: memref<1x1024xf32, #tpu.memory_space<vmem>>, %arg7: memref<512x1024xf32, #tpu.memory_space<vmem>>) attributes {dimension_semantics = [#tpu.dimension_semantics<arbitrary>], iteration_bounds = array<i64: 4>, scalar_prefetch = 0 : i64, scratch_operands = 0 : i64, tpu.core_type = #tpu.core_type<tc>, window_params = [{transform_indices = @transform_0, window_bounds = array<i64: 512, 1024>}, {transform_indices = @transform_1, window_bounds = array<i64: 512, 512>}, {transform_indices = @transform_2, window_bounds = array<i64: 512, 1>}, {transform_indices = @transform_3, window_bounds = array<i64: 512, 1>}, {pipeline_mode = #tpu.pipeline_mode<synchronous>, transform_indices = @transform_4, window_bounds = array<i64: 1, 1024>}, {pipeline_mode = #tpu.pipeline_mode<synchronous>, transform_indices = @transform_5, window_bounds = array<i64: 1, 1024>}, {transform_indices = @transform_6, window_bounds = array<i64: 512, 1024>}]} {
    %get3A = arith.constant 0 : index
    %get3A_0 = arith.constant 0 : index
    %get3A_1 = vector.load %arg1[%get3A, %get3A_0] : memref<512x1024xf32, #tpu.memory_space<vmem>>, vector<512x1024xf32>
    %get3A_2 = arith.constant 0 : index
    %get3A_3 = arith.constant 0 : index
    %get3A_4 = vector.load %arg2[%get3A_2, %get3A_3] : memref<512x512xi32, #tpu.memory_space<vmem>>, vector<512x512xi32>
    %and3A = arith.constant 65535 : i32
    %and3A_5 = vector.broadcast %and3A : i32 to vector<512x512xi32>
    %and3A_6 = arith.andi %get3A_4, %and3A_5 : vector<512x512xi32>
    %convert_element_type3A = arith.trunci %and3A_6 : vector<512x512xi32> to vector<512x512xi16>
    %bitcast_convert_type3A = tpu.bitcast %convert_element_type3A : vector<512x512xi16> -> vector<512x512xbf16>
    %shift_right_logical3A = arith.constant 16 : i32
    %shift_right_logical3A_7 = vector.broadcast %shift_right_logical3A : i32 to vector<512x512xi32>
    %shift_right_logical3A_8 = arith.shrui %get3A_4, %shift_right_logical3A_7 : vector<512x512xi32>
    %convert_element_type3A_9 = arith.trunci %shift_right_logical3A_8 : vector<512x512xi32> to vector<512x512xi16>
    %bitcast_convert_type3A_10 = tpu.bitcast %convert_element_type3A_9 : vector<512x512xi16> -> vector<512x512xbf16>
    %convert_element_type3A_11 = arith.extf %bitcast_convert_type3A : vector<512x512xbf16> to vector<512x512xf32>
    %convert_element_type3A_12 = arith.extf %bitcast_convert_type3A_10 : vector<512x512xbf16> to vector<512x512xf32>
    %concatenate3A = tpu.concatenate %convert_element_type3A_11, %convert_element_type3A_12 in 1 : vector<512x512xf32>, vector<512x512xf32> -> vector<512x1024xf32>
    %reduce_sum3A = arith.constant dense<0.000000e+00> : vector<512xf32>
    %reduce_sum3A_13 = vector.multi_reduction <add>, %get3A_1, %reduce_sum3A [1] : vector<512x1024xf32> to vector<512xf32>
    %broadcast_in_dim3A = vector.shape_cast %reduce_sum3A_13 : vector<512xf32> to vector<512x1xf32>
    %div3A = arith.constant 1.024000e+03 : f32
    %div3A_14 = vector.broadcast %div3A : f32 to vector<512x1xf32>
    %div3A_15 = arith.divf %broadcast_in_dim3A, %div3A_14 : vector<512x1xf32>
    %jit3A = arith.constant 0 : i32
    %reduce_sum3A_16 = arith.constant dense<0.000000e+00> : vector<512xf32>
    %reduce_sum3A_17 = vector.multi_reduction <add>, %get3A_1, %reduce_sum3A_16 [1] : vector<512x1024xf32> to vector<512xf32>
    %broadcast_in_dim3A_18 = vector.shape_cast %reduce_sum3A_17 : vector<512xf32> to vector<512x1xf32>
    %div3A_19 = arith.constant 1.024000e+03 : f32
    %div3A_20 = vector.broadcast %div3A_19 : f32 to vector<512x1xf32>
    %div3A_21 = arith.divf %broadcast_in_dim3A_18, %div3A_20 : vector<512x1xf32>
    %sub3A = vector.broadcast %div3A_21 : vector<512x1xf32> to vector<512x1024xf32>
    %sub3A_22 = arith.subf %get3A_1, %sub3A : vector<512x1024xf32>
    %square3A = arith.mulf %sub3A_22, %sub3A_22 : vector<512x1024xf32>
    %convert_element_type3A_23 = arith.sitofp %jit3A : i32 to f32
    %sub3A_24 = arith.constant 1.024000e+03 : f32
    %sub3A_25 = arith.subf %sub3A_24, %convert_element_type3A_23 : f32
    %reduce_sum3A_26 = arith.constant dense<0.000000e+00> : vector<512xf32>
    %reduce_sum3A_27 = vector.multi_reduction <add>, %square3A, %reduce_sum3A_26 [1] : vector<512x1024xf32> to vector<512xf32>
    %broadcast_in_dim3A_28 = vector.shape_cast %reduce_sum3A_27 : vector<512xf32> to vector<512x1xf32>
    %div3A_29 = vector.broadcast %sub3A_25 : f32 to vector<512x1xf32>
    %div3A_30 = arith.divf %broadcast_in_dim3A_28, %div3A_29 : vector<512x1xf32>
    %gt3A = arith.constant 0.000000e+00 : f32
    %gt3A_31 = arith.cmpf ogt, %sub3A_25, %gt3A : f32
    %jit3A_32 = arith.constant 0x7FC00000 : f32
    %broadcast_in_dim3A_33 = vector.broadcast %jit3A_32 : f32 to vector<512x1xf32>
    %select_n3A = arith.select %gt3A_31, %div3A_30, %broadcast_in_dim3A_33 : vector<512x1xf32>
    %sub3A_34 = vector.broadcast %div3A_15 : vector<512x1xf32> to vector<512x1024xf32>
    %sub3A_35 = arith.subf %get3A_1, %sub3A_34 : vector<512x1024xf32>
    %add3A = arith.constant 9.99999974E-6 : f32
    %add3A_36 = vector.broadcast %add3A : f32 to vector<512x1xf32>
    %add3A_37 = arith.addf %select_n3A, %add3A_36 : vector<512x1xf32>
    %sqrt3A = math.sqrt %add3A_37 : vector<512x1xf32>
    %div3A_38 = vector.broadcast %sqrt3A : vector<512x1xf32> to vector<512x1024xf32>
    %div3A_39 = arith.divf %sub3A_35, %div3A_38 : vector<512x1024xf32>
    %get3A_40 = arith.constant 0 : index
    %get3A_41 = arith.constant 0 : index
    %get3A_42 = vector.load %arg5[%get3A_40, %get3A_41] : memref<1x1024xf32, #tpu.memory_space<vmem>>, vector<1x1024xf32>
    %mul3A = vector.broadcast %get3A_42 : vector<1x1024xf32> to vector<512x1024xf32>
    %mul3A_43 = arith.mulf %div3A_39, %mul3A : vector<512x1024xf32>
    %get3A_44 = arith.constant 0 : index
    %get3A_45 = arith.constant 0 : index
    %get3A_46 = vector.load %arg6[%get3A_44, %get3A_45] : memref<1x1024xf32, #tpu.memory_space<vmem>>, vector<1x1024xf32>
    %add3A_47 = vector.broadcast %get3A_46 : vector<1x1024xf32> to vector<512x1024xf32>
    %add3A_48 = arith.addf %mul3A_43, %add3A_47 : vector<512x1024xf32>
    %get3A_49 = arith.constant 0 : index
    %get3A_50 = arith.constant 0 : index
    %get3A_51 = vector.load %arg4[%get3A_49, %get3A_50] : memref<512x1xi32, #tpu.memory_space<vmem>>, vector<512x1xi32>
    %lt3A = arith.constant 3072 : i32
    %lt3A_52 = vector.broadcast %lt3A : i32 to vector<512x1xi32>
    %lt3A_53 = arith.cmpi slt, %get3A_51, %lt3A_52 : vector<512x1xi32>
    %get3A_54 = arith.constant 0 : index
    %get3A_55 = arith.constant 0 : index
    %get3A_56 = vector.load %arg3[%get3A_54, %get3A_55] : memref<512x1xf32, #tpu.memory_space<vmem>>, vector<512x1xf32>
    %broadcast_in_dim3A_57 = vector.shape_cast %lt3A_53 : vector<512x1xi1> to vector<512x1xi1>
    %broadcast_in_dim3A_58 = vector.broadcast %broadcast_in_dim3A_57 : vector<512x1xi1> to vector<512x1024xi1>
    %select_n3A_59 = arith.select %broadcast_in_dim3A_58, %concatenate3A, %add3A_48 : vector<512x1024xi1>, vector<512x1024xf32>
    %mul3A_60 = vector.broadcast %get3A_56 : vector<512x1xf32> to vector<512x1024xf32>
    %mul3A_61 = arith.mulf %mul3A_60, %select_n3A_59 : vector<512x1024xf32>
    %add3A_62 = arith.addf %get3A_1, %mul3A_61 : vector<512x1024xf32>
    %swap3A = arith.constant 0 : index
    %swap3A_63 = arith.constant 0 : index
    %swap3A_64 = vector.load %arg7[%swap3A, %swap3A_63] : memref<512x1024xf32, #tpu.memory_space<vmem>>, vector<512x1024xf32>
    tpu.vector_store %arg7[%swap3A, %swap3A_63], %add3A_62 {strides = array<i32>} : memref<512x1024xf32, #tpu.memory_space<vmem>>, vector<512x1024xf32>,
    return
  }
  func.func @transform_0(%arg0: i32) -> (i32, i32) {
    %c0_i32 = arith.constant 0 : i32
    %c0_i32_0 = arith.constant 0 : i32
    return %arg0, %c0_i32 : i32, i32
  }
  func.func @transform_1(%arg0: i32) -> (i32, i32) {
    %c0_i32 = arith.constant 0 : i32
    %c0_i32_0 = arith.constant 0 : i32
    return %arg0, %c0_i32 : i32, i32
  }
  func.func @transform_2(%arg0: i32) -> (i32, i32) {
    %c0_i32 = arith.constant 0 : i32
    %c0_i32_0 = arith.constant 0 : i32
    return %arg0, %c0_i32 : i32, i32
  }
  func.func @transform_3(%arg0: i32) -> (i32, i32) {
    %c0_i32 = arith.constant 0 : i32
    %c0_i32_0 = arith.constant 0 : i32
    return %arg0, %c0_i32 : i32, i32
  }
  func.func @transform_4(%arg0: i32) -> (i32, i32) {
    %c0_i32 = arith.constant 0 : i32
    %c0_i32_0 = arith.constant 0 : i32
    %c0_i32_1 = arith.constant 0 : i32
    return %c0_i32, %c0_i32_0 : i32, i32
  }
  func.func @transform_5(%arg0: i32) -> (i32, i32) {
    %c0_i32 = arith.constant 0 : i32
    %c0_i32_0 = arith.constant 0 : i32
    %c0_i32_1 = arith.constant 0 : i32
    return %c0_i32, %c0_i32_0 : i32, i32
  }
  func.func @transform_6(%arg0: i32) -> (i32, i32) {
    %c0_i32 = arith.constant 0 : i32
    %c0_i32_0 = arith.constant 0 : i32
    return %arg0, %c0_i32 : i32, i32
  }
}

</mosaic_0001>

<sc_bundles>
// kernel: kernel.10.cloned.1.call-start
scs
__scs_entry_jumppad:
0x0: {  	(pc) =	sbr.rel $0x88, $3  }
0x1: {  	(tag) =	ssettag $0x0;
	lr =	simm.s32 $0x1  }
0x2: {  	[smem:$0x3F9B] =	sst lr;
	_ =	strace $0xD0000000  }
0x3: {  	_ = 	snop  }
0x4: {  	_ = 	snop  }
0x5: {  	_ = 	snop  }
0x6: {  	_ = 	snop  }
0x7: {  	_ = 	snop  }
__scs_overlays_trampoline_lowered:
0x8: {  	[smem:$0x3FAA] =	sst s0  }
0x9: {  	[smem:$0x3FAB] =	sst s1  }
0xa: {  	[smem:$0x3FAC] =	sst s2  }
0xb: {  	[smem:$0x3FAD] =	sst s3  }
0xc: {  	[smem:$0x3FAE] =	sst s4  }
0xd: {  	[smem:$0x3FAF] =	sst s5  }
0xe: {  	[smem:$0x3FB0] =	sst s6  }
0xf: {  	[smem:$0x3FB1] =	sst s7  }
0x10: {  	[smem:$0x3FB2] =	sst s8  }
0x11: {  	[smem:$0x3FB3] =	sst s9;
	s0 =	simm.s32 @!p0 $0x0  }
0x12: {  	s1 =	sld [smem:$0x3F99];
	s0 =	simm.s32 @p0 $0x1  }
0x13: {  	[smem:$0x3FB4] =	sst s0;
	s0 =	simm.s32 @!p1 $0x0  }
0x14: {  	s2 =	sld [smem:$0x3F98];
	s0 =	simm.s32 @p1 $0x1  }
0x15: {  	[smem:$0x3FB5] =	sst s0;
	s0 =	simm.s32 @!p2 $0x0  }
0x16: {  	s3 =	sld [smem:$0x3FDB];
	s0 =	simm.s32 @p2 $0x1  }
0x17: {  	s4 =	simm.s32 $0x1BF5;
	[smem:$0x3FB7] =	sst s0  }
0x18: {  	s0 =	sld [smem:$0x3F9A];
	_ =	swait.ge [sflag:s4], $0x0  }
0x19: {  	s7 =	sld [smem:$0x3F9B]  }
0x1a: {  	s8 =	sadd.s32 $0xFFFFE003, lr  }
0x1b: {  	s9 =	sadd.s32 $0xFFFFFEF7, lr;
	s5 =	simm.s32 $0xFFFFFFFF;
	p2 =	slt.u32 s8, $0xFFFFF086  }
0x1c: {  	p1 =	slt.u32 s9, $0xF7A;
	s5 =	simm.s32 @!p2 $0x0  }
0x1d: {  	s5 =	simm.s32 @p1 $0x1;
	p0 =	seq.s32 s7, s2  }
0x1e: {  	s7 =	smul.u32 @!p0 $0xF7A, s2;
	p2 =	seq.s32 @!p0 s5, $0x0  }
0x1f: {  	s9 =	smul.u32 $0xF7A, s1;
	s8 =	simm.s32 @!p0 $0x1BF5;
	p2 =	por !p2, p0  }
0x20: {  	[sflag:s8] =	ssyncset.s32 @!p0 $0xFFFFF086;
	s6 =	sadd.s32 @!p0 s3, s7;
	s7 =	simm.s32 @!p0 $0x108  }
0x21: {  	s3 =	sadd.s32 s3, s9;
	s6 =	sadd.s32 @!p0 $0x88, s6;
	s7 =	simm.s32 @p2 $0x1082  }
0x22: {  	[simem:s7], [sflag:s8] =	dma.local @!p0 [hbm:s6], $0xF7A  }
0x23: {  	s9 =	sor.u32 $0xD0000000, s2;
	s6 =	simm.s32 $0x108;
	_ =	swait.ge @!p0 [sflag:s8], $0x0  }
0x24: {  	s3 =	sadd.s32 $0x88, s3;
	s6 =	simm.s32 @!p1 $0x1082;
	[sflag:s4] =	ssyncset.s32 $0xFFFFF086  }
0x25: {  	[simem:s6], [sflag:s4] =	dma.local [hbm:s3], $0xF7A  }
0x26: {  	[smem:$0x3F9B] =	sst s1;
	(tag) =	ssettag s2;
	_ =	strace s9  }
0x27: {  	s1 =	sld [smem:$0x3FAB]  }
0x28: {  	s2 =	sld [smem:$0x3FAC]  }
0x29: {  	s4 =	sld [smem:$0x3FAE]  }
0x2a: {  	p0 =	seq.s32 s5, $0x0;
	s5 =	sld [smem:$0x3FAF]  }
0x2b: {  	s6 =	sld [smem:$0x3FB0]  }
0x2c: {  	s7 =	sld [smem:$0x3FB1]  }
0x2d: {  	s3 =	simm.s32 $0x108;
	s8 =	sld [smem:$0x3FB2]  }
0x2e: {  	s3 =	simm.s32 @!p0 $0x1082;
	s9 =	sld [smem:$0x3FB3]  }
0x2f: {  	lr =	sadd.s32 s0, s3;
	s0 =	sld [smem:$0x3FAA]  }
0x30: {  	s3 =	sld [smem:$0x3FAD]  }
0x31: {  	[smem:$0x3FB6] =	sst s10  }
0x32: {  	s10 =	sld [smem:$0x3FB4];
	_ =	sdelay $0x3  }
0x33: {  	p0 =	seq.s32 s10, $0x1;
	s10 =	sld [smem:$0x3FB6];
	_ =	sdelay $0x3  }
0x34: {  	[smem:$0x3FB6] =	sst s10  }
0x35: {  	s10 =	sld [smem:$0x3FB5];
	_ =	sdelay $0x3  }
0x36: {  	p1 =	seq.s32 s10, $0x1;
	s10 =	sld [smem:$0x3FB6];
	_ =	sdelay $0x3  }
0x37: {  	[smem:$0x3FB6] =	sst s10  }
0x38: {  	s10 =	sld [smem:$0x3FB7]  }
0x39: {  	_ = 	snop;
	(pc) =	sbr.ind lr, $3  }
0x3a: {  	_ = 	snop  }
0x3b: {  	_ = 	snop  }
0x3c: {  	p2 =	seq.s32 s10, $0x1;
	s10 =	sld [smem:$0x3FB6]  }
0x3d: {  	_ =	shalt  }
0x3e: {  	_ =	shalt  }
0x3f: {  	_ =	shalt  }
0x40: {  	_ =	shalt  }
0x41: {  	_ =	shalt  }
0x42: {  	_ =	shalt  }
0x43: {  	_ =	shalt  }
0x44: {  	_ =	shalt  }
0x45: {  	_ =	shalt  }
0x46: {  	_ =	shalt  }
0x47: {  	_ =	shalt  }
0x48: {  	_ =	shalt  }
0x49: {  	_ =	shalt  }
0x4a: {  	_ =	shalt  }
0x4b: {  	_ =	shalt  }
0x4c: {  	_ =	shalt  }
0x4d: {  	_ =	shalt  }
0x4e: {  	_ =	shalt  }
0x4f: {  	_ =	shalt  }
0x50: {  	_ =	shalt  }
0x51: {  	_ =	shalt  }
0x52: {  	_ =	shalt  }
0x53: {  	_ =	shalt  }
0x54: {  	_ =	shalt  }
0x55: {  	_ =	shalt  }
0x56: {  	_ =	shalt  }
0x57: {  	_ =	shalt  }
0x58: {  	_ =	shalt  }
0x59: {  	_ =	shalt  }
0x5a: {  	_ =	shalt  }
0x5b: {  	_ =	shalt  }
0x5c: {  	_ =	shalt  }
0x5d: {  	_ =	shalt  }
0x5e: {  	_ =	shalt  }
0x5f: {  	_ =	shalt  }
0x60: {  	_ =	shalt  }
0x61: {  	_ =	shalt  }
0x62: {  	_ =	shalt  }
0x63: {  	_ =	shalt  }
0x64: {  	_ =	shalt  }
0x65: {  	_ =	shalt  }
0x66: {  	_ =	shalt  }
0x67: {  	_ =	shalt  }
0x68: {  	_ =	shalt  }
0x69: {  	_ =	shalt  }
0x6a: {  	_ =	shalt  }
0x6b: {  	_ =	shalt  }
0x6c: {  	_ =	shalt  }
0x6d: {  	_ =	shalt  }
0x6e: {  	_ =	shalt  }
0x6f: {  	_ =	shalt  }
0x70: {  	_ =	shalt  }
0x71: {  	_ =	shalt  }
0x72: {  	_ =	shalt  }
0x73: {  	_ =	shalt  }
0x74: {  	_ =	shalt  }
0x75: {  	_ =	shalt  }
0x76: {  	_ =	shalt  }
0x77: {  	_ =	shalt  }
0x78: {  	_ =	shalt  }
0x79: {  	_ =	shalt  }
0x7a: {  	_ =	shalt  }
0x7b: {  	_ =	shalt  }
0x7c: {  	_ =	shalt  }
0x7d: {  	_ =	shalt  }
0x7e: {  	_ =	shalt  }
0x7f: {  	_ =	shalt  }
0x80: {  	_ =	shalt  }
0x81: {  	_ =	shalt  }
0x82: {  	_ =	shalt  }
0x83: {  	_ =	shalt  }
0x84: {  	_ =	shalt  }
0x85: {  	_ =	shalt  }
0x86: {  	_ =	shalt  }
0x87: {  	_ =	shalt  }
.Lfunc_end0:
.L_simem_size_0:
called_computation.1_lowered:
.L_overlay_start_0:
0x88: {  	s2 =	sld [smem:$0x3FD9]  }
0x89: {  	s3 =	sld [smem:$0x3FFE];
	_ =	sdelay $0x1  }
0x8a: {  	s1 =	srdreg.scid  }
0x8b: {  	s0 =	sand.u32 $0x1, s1  }
0x8c: {  	s14 =	sshll.u32 s0, $0xA;
	s2 =	sadd.s32 s3, s2  }
0x8d: {  	s2 =	sadd.s32 s2, s14  }
0x8e: {  	[smem:$0x3FC2] =	sst s2  }
0x8f: {  	_ = 	snop  }
0x90: {  	s2 =	sld [smem:$0x3FD0];
	_ =	sdelay $0x2  }
0x91: {  	s15 =	simm.s32 $0xA;
	s4 =	simm.s32 $0x10  }
0x92: {  	[smem:s4], [sflag:s15] =	dma.local [hbm:s2], $0x1  }
0x93: {  	_ =	swait.eq [sflag:s15], $0x1  }
0x94: {  	[sflag:s15] =	ssyncset.done $0x0  }
0x95: {  	[sflag:s15] =	ssyncadd.s32 $0xFFFFFFFF  }
0x96: {  	s16 =	sld [smem:$0x10];
	(tm) =	ssettm $0x1  }
0x97: {  	s17 =	sld [smem:$0x3FFB];
	_ =	sdelay $0x3  }
0x98: {  	_ =	strace s17  }
0x99: {  	s3 =	sld [smem:$0x3FFC];
	_ =	sdelay $0x3  }
0x9a: {  	_ =	strace s3  }
0x9b: {  	s3 =	sld [smem:$0x3FFD];
	_ =	sdelay $0x3  }
0x9c: {  	_ =	strace s3  }
0x9d: {  	_ =	strace $0x8FFFFFFF  }
0x9e: {  	s18 =	sld [smem:$0x3FDB];
	_ =	sdelay $0x1  }
0x9f: {  	s19 =	simm.s32 $_scs_section_size  }
0xa0: {  	s5 =	simm.s32 $_size__tile_overlayer_lowered;
	s6 =	simm.s32 $_tile_overlayer_lowered  }
0xa1: {  	s22 =	simm.s32 $0x1BFF;
	s21 =	sshll.u32 s6, $0x1;
	s3 =	sadd.s32 s19, s18  }
0xa2: {  	s7 =	simm.s32 $0x0;
	s20 =	sshll.u32 s5, $0x1;
	s5 =	sadd.s32 s21, s3  }
0xa3: {  	[timem:s7], [sflag:s22] =	dma.local [hbm:s5], s20  }
0xa4: {  	_ =	swait.ge [sflag:s22], s20  }
0xa5: {  	s4 =	ssub.s32 $0x0, s20;
	[sflag:s22] =	ssyncset.done $0x0  }
0xa6: {  	[sflag:s22] =	ssyncadd.s32 s4;
	_ =	sdelay $0x1  }
0xa7: {  	s23 =	simm.s32 $0x1B8B  }
0xa8: {  	_ =	swait.ge [sflag:s23], $0x1  }
0xa9: {  	[sflag:s23] =	ssyncset.done $0x0  }
0xaa: {  	s25 =	simm.s32 $0x1B8E;
	s24 =	sld [smem:$0x3FFE];
	[sflag:s23] =	ssyncadd.s32 $0xFFFFFFFF  }
0xab: {  	s26 =	simm.s32 $execute0_lowered;
	[smem:$0x3FD2] =	sst s25  }
0xac: {  	s5 =	sshll.u32 s26, $0x1;
	_ =	strace $0x80000049;
	[dreg:$0x1] =	wrdreg $0xFFFFFFFF  }
0xad: {  	s28 =	simm.s32 $_size_execute0_lowered;
	s3 =	sadd.s32 s3, s5;
	[dreg:$0x0] =	wrdreg $0x0  }
0xae: {  	s5 =	sshll.u32 s28, $0x1;
	[dreg:$0x2] =	wrdreg s3  }
0xaf: {  	[dreg:$0x3] =	wrdreg s5  }
0xb0: {  	[dreg:$0x4] =	wrdreg $0xC0  }
0xb1: {  	_ =	task [dreg:s7], $0x5FFFF  }
0xb2: {  	[dreg:$0x1] =	wrdreg $0xFFFFFFFF  }
0xb3: {  	[dreg:$0x0] =	wrdreg $0x60  }
0xb4: {  	[dreg:$0x2] =	wrdreg s16  }
0xb5: {  	[dreg:$0x3] =	wrdreg s24  }
0xb6: {  	[dreg:$0x4] =	wrdreg $0x9  }
0xb7: {  	_ =	task.clear_ibuf [dreg:s7], $0x5FFFF;
	_ =	strace $0x90000049  }
0xb8: {  	s29 =	simm.s32 $0x9;
	_ =	strace $0x8000004B  }
0xb9: {  	_ =	swait.ge [sflag:s29], $0x1  }
0xba: {  	[sflag:s29] =	ssyncadd.s32 $0xFFFFFFFF  }
0xbb: {  	_ =	strace $0x9000004B  }
0xbc: {  	_ =	sfence  }
0xbd: {  	s30 =	sld [smem:$0x0];
	_ =	sdelay $0x2  }
0xbe: {  	s31 =	sshll.u32 s1, $0xD;
	s1 =	sshrl.u32 s1, $0x2  }
0xbf: {  	s3 =	sand.u32 $0x4000, s31;
	s1 =	sadd.s32 s1, s30  }
0xc0: {  	s0 =	sor.u32 s3, s0;
	s1 =	sshll.u32 s1, $0x11  }
0xc1: {  	s0 =	sor.u32 s1, s0  }
0xc2: {  	s0 =	sadd.s32 $0x8F2B, s0  }
0xc3: {  	[sflag:s0] =	ssyncadd.remote.s32 $0x1  }
0xc4: {  	_ =	sfence.sel $0xFFFF  }
0xc5: {  	[dreg:$0x0] =	wrdreg $0xFFFFFFFF;
	(pc) =	sbr.abs _section_cstart, $3  }
0xc6: {  	[dreg:$0x1] =	wrdreg $0xFFFFFFFF  }
0xc7: {  	_ =	task.clear_ibuf [dreg:s7], $0x2FFFF;
	_ =	strace $0x9FFFFFFF  }
0xc8: {  	(tm) =	ssettm $0x7FFFFFFF  }
0xc9: {  	_ =	shalt  }
tec
execute0_lowered:
.L_overlay_start_1:
0x0: {  	(tag) =	ssettag $0x1  }
0x1: {  	s1 =	rddreg [dreg:$0x0]  }
0x2: {  	s4 =	rddreg [dreg:$0x1]  }
0x3: {  	s0 =	rddreg [dreg:$0x2]  }
0x4: {  	s3 =	simm.s32 $0x0;
	s5 =	srdreg.scid;
	s2 =	stileid.u32  }
0x5: {  	s12 =	simm.s32 $0x100;
	s13 =	simm.s32 $0x900;
	s14 =	simm.s32 $0x1100  }
0x6: {  	s15 =	simm.s32 $0x1900;
	s16 =	simm.s32 $0x2100;
	s17 =	simm.s32 $0x2900  }
0x7: {  	s18 =	simm.s32 $0x3100;
	s19 =	simm.s32 $0x3900;
	s20 =	simm.s32 $0x4100  }
0x8: {  	s21 =	simm.s32 $0x4900;
	s22 =	simm.s32 $0x5100;
	s23 =	simm.s32 $0x5900  }
0x9: {  	s24 =	simm.s32 $0x6100;
	s28 =	simm.s32 $0x7900;
	s29 =	simm.s32 $0x1  }
0xa: {  	s30 =	simm.s32 $0x2;
	[smem:$0x7FF] =	sst s3;
	s5 =	sand.u32 $0x1, s5  }
0xb: {  	s6 =	sadd.s32 $0x21A00, s4;
	s7 =	sshll.u32 s2, $0x7;
	s8 =	sshll.u32 s5, $0x6  }
0xc: {  	s9 =	sadd.s32 $0x1A00, s4;
	s25 =	ssub.s32 $0x2, s5;
	s7 =	sor.u32 s8, s7  }
0xd: {  	_ =	strace $0x8000004A;
	s5 =	sshrl.u32 s25, $0x1;
	s8 =	sshrl.u32 s7, $0x3  }
0xe: {  	s10 =	sor.u32 $0x20, s7;
	s11 =	ssub.s32 s25, s5;
	s7 =	sshll.u32 s7, $0x6  }
0xf: {  	s25 =	simm.s32 $0x6900;
	s4 =	sadd.s32 s6, s8;
	s26 =	sshrl.u32 s10, $0x3  }
0x10: {  	v2 =	vlaneseq.u32;
	s31 =	sshll.u32 s10, $0x6;
	s7 =	sadd.s32 s9, s7;
	s10 =	simm.s32 $0x3  }
0x11: {  	vm0 =	vmmov $0xffff;
	v1 =	vshrl.u32 v2, $0x3;
	s5 =	sadd.s32 s6, s26;
	s6 =	sadd.s32 $0x100, s1;
	s8 =	sadd.s32 s9, s31  }
0x12: {  	v0 =	vand.u32 $0x7, v2;
	v2 =	vor.u32 $0x8, v2;
	v1 =	vmul.u32 $0x8, v1;
	s9 =	smax.u32 s11, $0x1;
	s11 =	simm.s32 $0x80;
	s26 =	simm.s32 $0x7100  }
.LBB2_1:
0x13: {  	[tilespmem:s3], [sflag:$0x3] =	stream.linear.gather [hbm4b:s4+s3], $0x20, $0x38;
	[tilespmem:$0x8100] =	vst v63  }
0x14: {  	_ =	swait.ge [sflag:s10], $0x20  }
0x15: {  	[sflag:s10] =	ssyncset.done $0x0  }
0x16: {  	[sflag:s10] =	ssyncadd.s32 $0xFFFFFFE0  }
0x17: {  	[tilespmem:s11], [sflag:$0x3] =	stream.linear.gather [hbm4b:s5+s3], $0x20, $0x38;
	[tilespmem:$0x8100] =	vst v63  }
0x18: {  	_ =	swait.ge [sflag:s10], $0x20  }
0x19: {  	[sflag:s10] =	ssyncset.done $0x0  }
0x1a: {  	[sflag:s10] =	ssyncadd.s32 $0xFFFFFFE0  }
0x1b: {  	v3 =	vld [tilespmem:$0x0];
	_ =	sdelay $0x4  }
0x1c: {  	v4 =	vshll.u32 v3, $0x2  }
0x1d: {  	v3 =	vand.u32 $0x7, v3;
	v4 =	vand.u32 $0xFFFFFFE0, v4  }
0x1e: {  	v3 =	vor.u32 v3, v4  }
0x1f: {  	v4 =	vperm.xlane v3, v0;
	_ =	sdelay $0x1  }
0x20: {  	v4 =	vadd.s32 v1, v4;
	_ =	sdelay $0x1  }
0x21: {  	v3 =	vperm.xlane v3, v2;
	_ =	sdelay $0x1  }
0x22: {  	v3 =	vadd.s32 v1, v3  }
0x23: {  	[tilespmem:s12], [sflag:$0x1] =	stream.indirect_vreg.gather [hbm4b:s1+s3], $0x80, v4, vm0, $0xb8;
	[tilespmem:$0x8100] =	vst v63  }
0x24: {  	_ = 	snop  }
0x25: {  	[tilespmem:s13], [sflag:$0x1] =	stream.indirect_vreg.gather [hbm4b:s6+s3], $0x80, v4, vm0, $0xb8;
	[tilespmem:$0x8100] =	vst v63  }
0x26: {  	_ = 	snop  }
0x27: {  	[tilespmem:s14], [sflag:$0x1] =	stream.indirect_vreg.gather [hbm4b:s1+s3], $0x80, v3, vm0, $0xb8;
	[tilespmem:$0x8100] =	vst v63  }
0x28: {  	_ = 	snop  }
0x29: {  	[tilespmem:s15], [sflag:$0x1] =	stream.indirect_vreg.gather [hbm4b:s6+s3], $0x80, v3, vm0, $0xb8;
	[tilespmem:$0x8100] =	vst v63  }
0x2a: {  	v3 =	vld [tilespmem:$0x10];
	_ =	sdelay $0x4  }
0x2b: {  	v61 =	vshll.u32 v3, $0x2  }
0x2c: {  	v3 =	vand.u32 $0x7, v3;
	v4 =	vand.u32 $0xFFFFFFE0, v61  }
0x2d: {  	v3 =	vor.u32 v3, v4  }
0x2e: {  	v4 =	vperm.xlane v3, v0;
	_ =	sdelay $0x1  }
0x2f: {  	v4 =	vadd.s32 v1, v4;
	_ =	sdelay $0x1  }
0x30: {  	v3 =	vperm.xlane v3, v2;
	_ =	sdelay $0x1  }
0x31: {  	v3 =	vadd.s32 v1, v3  }
0x32: {  	[tilespmem:s16], [sflag:$0x1] =	stream.indirect_vreg.gather [hbm4b:s1+s3], $0x80, v4, vm0, $0xb8;
	[tilespmem:$0x8100] =	vst v63  }
0x33: {  	_ = 	snop  }
0x34: {  	[tilespmem:s17], [sflag:$0x1] =	stream.indirect_vreg.gather [hbm4b:s6+s3], $0x80, v4, vm0, $0xb8;
	[tilespmem:$0x8100] =	vst v63  }
0x35: {  	_ = 	snop  }
0x36: {  	[tilespmem:s18], [sflag:$0x1] =	stream.indirect_vreg.gather [hbm4b:s1+s3], $0x80, v3, vm0, $0xb8;
	[tilespmem:$0x8100] =	vst v63  }
0x37: {  	_ = 	snop  }
0x38: {  	[tilespmem:s19], [sflag:$0x1] =	stream.indirect_vreg.gather [hbm4b:s6+s3], $0x80, v3, vm0, $0xb8;
	[tilespmem:$0x8100] =	vst v63  }
0x39: {  	v3 =	vld [tilespmem:$0x80];
	_ =	sdelay $0x4  }
0x3a: {  	v62 =	vshll.u32 v3, $0x2  }
0x3b: {  	v3 =	vand.u32 $0x7, v3;
	v4 =	vand.u32 $0xFFFFFFE0, v62  }
0x3c: {  	v3 =	vor.u32 v3, v4  }
0x3d: {  	v4 =	vperm.xlane v3, v0;
	_ =	sdelay $0x1  }
0x3e: {  	v4 =	vadd.s32 v1, v4;
	_ =	sdelay $0x1  }
0x3f: {  	v3 =	vperm.xlane v3, v2;
	_ =	sdelay $0x1  }
0x40: {  	v3 =	vadd.s32 v1, v3  }
0x41: {  	[tilespmem:s20], [sflag:$0x2] =	stream.indirect_vreg.gather [hbm4b:s1+s3], $0x80, v4, vm0, $0xb8;
	[tilespmem:$0x8100] =	vst v63  }
0x42: {  	_ = 	snop  }
0x43: {  	[tilespmem:s21], [sflag:$0x2] =	stream.indirect_vreg.gather [hbm4b:s6+s3], $0x80, v4, vm0, $0xb8;
	[tilespmem:$0x8100] =	vst v63  }
0x44: {  	_ = 	snop  }
0x45: {  	[tilespmem:s22], [sflag:$0x2] =	stream.indirect_vreg.gather [hbm4b:s1+s3], $0x80, v3, vm0, $0xb8;
	[tilespmem:$0x8100] =	vst v63  }
0x46: {  	_ = 	snop  }
0x47: {  	[tilespmem:s23], [sflag:$0x2] =	stream.indirect_vreg.gather [hbm4b:s6+s3], $0x80, v3, vm0, $0xb8;
	[tilespmem:$0x8100] =	vst v63  }
0x48: {  	v3 =	vld [tilespmem:$0x90];
	_ =	sdelay $0x4  }
0x49: {  	v63 =	vshll.u32 v3, $0x2  }
0x4a: {  	v3 =	vand.u32 $0x7, v3;
	v4 =	vand.u32 $0xFFFFFFE0, v63  }
0x4b: {  	v3 =	vor.u32 v3, v4  }
0x4c: {  	v4 =	vperm.xlane v3, v0;
	_ =	sdelay $0x1  }
0x4d: {  	v4 =	vadd.s32 v1, v4;
	_ =	sdelay $0x1  }
0x4e: {  	v3 =	vperm.xlane v3, v2;
	_ =	sdelay $0x1  }
0x4f: {  	v3 =	vadd.s32 v1, v3  }
0x50: {  	[tilespmem:s24], [sflag:$0x2] =	stream.indirect_vreg.gather [hbm4b:s1+s3], $0x80, v4, vm0, $0xb8;
	[tilespmem:$0x8100] =	vst v63  }
0x51: {  	_ = 	snop  }
0x52: {  	[tilespmem:s25], [sflag:$0x2] =	stream.indirect_vreg.gather [hbm4b:s6+s3], $0x80, v4, vm0, $0xb8;
	[tilespmem:$0x8100] =	vst v63  }
0x53: {  	_ = 	snop  }
0x54: {  	[tilespmem:s26], [sflag:$0x2] =	stream.indirect_vreg.gather [hbm4b:s1+s3], $0x80, v3, vm0, $0xb8;
	[tilespmem:$0x8100] =	vst v63  }
0x55: {  	_ = 	snop  }
0x56: {  	[tilespmem:s28], [sflag:$0x2] =	stream.indirect_vreg.gather [hbm4b:s6+s3], $0x80, v3, vm0, $0xb8;
	[tilespmem:$0x8100] =	vst v63  }
0x57: {  	_ =	swait.ge [sflag:s29], $0x4000  }
0x58: {  	[sflag:s29] =	ssyncset.done $0x0  }
0x59: {  	[sflag:s29] =	ssyncadd.s32 $0xFFFFC000  }
0x5a: {  	[hbm4b:s7+s3] =	stream.linear.scatter [tilespmem:s12], [sflag:$0x3], $0x4000, $0x38;
	[tilespmem:$0x8100] =	vst v63  }
0x5b: {  	_ =	swait.ge [sflag:s10], $0x4000  }
0x5c: {  	[sflag:s10] =	ssyncset.done $0x0  }
0x5d: {  	[sflag:s10] =	ssyncadd.s32 $0xFFFFC000  }
0x5e: {  	_ =	swait.ge [sflag:s30], $0x4000  }
0x5f: {  	p0 =	sne.s32 s9, $0x1;
	[sflag:s30] =	ssyncset.done $0x0  }
.Ltmp0:
0x60: {  	[sflag:s30] =	ssyncadd.s32 $0xFFFFC000;
	(pc) =	sbr.rel @p0 .LBB2_1-.Ltmp0, $4  }
0x61: {  	[hbm4b:s8+s3] =	stream.linear.scatter [tilespmem:s20], [sflag:$0x3], $0x4000, $0x38;
	[tilespmem:$0x8100] =	vst v63  }
0x62: {  	_ =	swait.ge [sflag:s10], $0x4000  }
0x63: {  	[sflag:s10] =	ssyncset.done $0x0  }
0x64: {  	s9 =	sadd.s32 $0xFFFFFFFF, s9;
	[sflag:s10] =	ssyncadd.s32 $0xFFFFC000  }
0x65: {  	_ =	sfence.sel $0x180000  }
0x66: {  	[bflag:$0x0] =	sbarrier.arrive $0xFFFF  }
0x67: {  	p0 =	sne.s32 s2, $0x0;
	_ =	strace $0x9000004A  }
0x68: {  	s0 =	sadd.s32 @!p0 $0x100000, s0;
	[bflag:$0x2] =	sbarrier.arrive $0xFFFF  }
0x69: {  	[sflag:s0] =	ssyncadd.tile.s32 @!p0 $0x1;
	_ =	shalt  }
.Lfunc_end2:
_tile_overlayer_lowered:
.L_overlay_start_2:
0x6a: {  	(tag) =	ssettag $0x2  }
0x6b: {  	s0 =	rddreg [dreg:$0x0];
	s2 =	stileid.u32  }
0x6c: {  	s1 =	rddreg [dreg:$0x1];
	p0 =	sne.s32 s2, $0x0  }
0x6d: {  	s3 =	rddreg [dreg:$0x2];
	[bflag:$0x3] =	sbarrier.arrive $0xFFFF;
	s2 =	simm.s32 @!p0 $0x1C03  }
0x6e: {  	[timem:s3], [sflag:s2] =	dma.local @!p0 [hbm:s0], s1  }
0x6f: {  	s0 =	simm.s32 @!p0 $0x3  }
0x70: {  	_ =	swait.ge @!p0 [sflag:s0], s1  }
0x71: {  	s1 =	ssub.s32 @!p0 $0x0, s1;
	[sflag:s0] =	ssyncset.done @!p0 $0x0  }
0x72: {  	[sflag:s0] =	ssyncadd.s32 @!p0 s1  }
0x73: {  	[bflag:$0x3] =	sbarrier.arrive $0xFFFF  }
0x74: {  	_ =	shalt  }

// kernel: kernel.7.cloned.1.call-start
scs
__scs_entry_jumppad:
0x0: {  	(pc) =	sbr.rel $0x88, $3  }
0x1: {  	(tag) =	ssettag $0x0;
	lr =	simm.s32 $0x1  }
0x2: {  	[smem:$0x3F9B] =	sst lr;
	_ =	strace $0xD0000000  }
0x3: {  	_ = 	snop  }
0x4: {  	_ = 	snop  }
0x5: {  	_ = 	snop  }
0x6: {  	_ = 	snop  }
0x7: {  	_ = 	snop  }
__scs_overlays_trampoline_lowered:
0x8: {  	[smem:$0x3FAA] =	sst s0  }
0x9: {  	[smem:$0x3FAB] =	sst s1  }
0xa: {  	[smem:$0x3FAC] =	sst s2  }
0xb: {  	[smem:$0x3FAD] =	sst s3  }
0xc: {  	[smem:$0x3FAE] =	sst s4  }
0xd: {  	[smem:$0x3FAF] =	sst s5  }
0xe: {  	[smem:$0x3FB0] =	sst s6  }
0xf: {  	[smem:$0x3FB1] =	sst s7  }
0x10: {  	[smem:$0x3FB2] =	sst s8  }
0x11: {  	[smem:$0x3FB3] =	sst s9;
	s0 =	simm.s32 @!p0 $0x0  }
0x12: {  	s1 =	sld [smem:$0x3F99];
	s0 =	simm.s32 @p0 $0x1  }
0x13: {  	[smem:$0x3FB4] =	sst s0;
	s0 =	simm.s32 @!p1 $0x0  }
0x14: {  	s2 =	sld [smem:$0x3F98];
	s0 =	simm.s32 @p1 $0x1  }
0x15: {  	[smem:$0x3FB5] =	sst s0;
	s0 =	simm.s32 @!p2 $0x0  }
0x16: {  	s3 =	sld [smem:$0x3FDB];
	s0 =	simm.s32 @p2 $0x1  }
0x17: {  	s4 =	simm.s32 $0x1BF5;
	[smem:$0x3FB7] =	sst s0  }
0x18: {  	s0 =	sld [smem:$0x3F9A];
	_ =	swait.ge [sflag:s4], $0x0  }
0x19: {  	s7 =	sld [smem:$0x3F9B]  }
0x1a: {  	s8 =	sadd.s32 $0xFFFFE003, lr  }
0x1b: {  	s9 =	sadd.s32 $0xFFFFFEF7, lr;
	s5 =	simm.s32 $0xFFFFFFFF;
	p2 =	slt.u32 s8, $0xFFFFF086  }
0x1c: {  	p1 =	slt.u32 s9, $0xF7A;
	s5 =	simm.s32 @!p2 $0x0  }
0x1d: {  	s5 =	simm.s32 @p1 $0x1;
	p0 =	seq.s32 s7, s2  }
0x1e: {  	s7 =	smul.u32 @!p0 $0xF7A, s2;
	p2 =	seq.s32 @!p0 s5, $0x0  }
0x1f: {  	s9 =	smul.u32 $0xF7A, s1;
	s8 =	simm.s32 @!p0 $0x1BF5;
	p2 =	por !p2, p0  }
0x20: {  	[sflag:s8] =	ssyncset.s32 @!p0 $0xFFFFF086;
	s6 =	sadd.s32 @!p0 s3, s7;
	s7 =	simm.s32 @!p0 $0x108  }
0x21: {  	s3 =	sadd.s32 s3, s9;
	s6 =	sadd.s32 @!p0 $0x88, s6;
	s7 =	simm.s32 @p2 $0x1082  }
0x22: {  	[simem:s7], [sflag:s8] =	dma.local @!p0 [hbm:s6], $0xF7A  }
0x23: {  	s9 =	sor.u32 $0xD0000000, s2;
	s6 =	simm.s32 $0x108;
	_ =	swait.ge @!p0 [sflag:s8], $0x0  }
0x24: {  	s3 =	sadd.s32 $0x88, s3;
	s6 =	simm.s32 @!p1 $0x1082;
	[sflag:s4] =	ssyncset.s32 $0xFFFFF086  }
0x25: {  	[simem:s6], [sflag:s4] =	dma.local [hbm:s3], $0xF7A  }
0x26: {  	[smem:$0x3F9B] =	sst s1;
	(tag) =	ssettag s2;
	_ =	strace s9  }
0x27: {  	s1 =	sld [smem:$0x3FAB]  }
0x28: {  	s2 =	sld [smem:$0x3FAC]  }
0x29: {  	s4 =	sld [smem:$0x3FAE]  }
0x2a: {  	p0 =	seq.s32 s5, $0x0;
	s5 =	sld [smem:$0x3FAF]  }
0x2b: {  	s6 =	sld [smem:$0x3FB0]  }
0x2c: {  	s7 =	sld [smem:$0x3FB1]  }
0x2d: {  	s3 =	simm.s32 $0x108;
	s8 =	sld [smem:$0x3FB2]  }
0x2e: {  	s3 =	simm.s32 @!p0 $0x1082;
	s9 =	sld [smem:$0x3FB3]  }
0x2f: {  	lr =	sadd.s32 s0, s3;
	s0 =	sld [smem:$0x3FAA]  }
0x30: {  	s3 =	sld [smem:$0x3FAD]  }
0x31: {  	[smem:$0x3FB6] =	sst s10  }
0x32: {  	s10 =	sld [smem:$0x3FB4];
	_ =	sdelay $0x3  }
0x33: {  	p0 =	seq.s32 s10, $0x1;
	s10 =	sld [smem:$0x3FB6];
	_ =	sdelay $0x3  }
0x34: {  	[smem:$0x3FB6] =	sst s10  }
0x35: {  	s10 =	sld [smem:$0x3FB5];
	_ =	sdelay $0x3  }
0x36: {  	p1 =	seq.s32 s10, $0x1;
	s10 =	sld [smem:$0x3FB6];
	_ =	sdelay $0x3  }
0x37: {  	[smem:$0x3FB6] =	sst s10  }
0x38: {  	s10 =	sld [smem:$0x3FB7]  }
0x39: {  	_ = 	snop;
	(pc) =	sbr.ind lr, $3  }
0x3a: {  	_ = 	snop  }
0x3b: {  	_ = 	snop  }
0x3c: {  	p2 =	seq.s32 s10, $0x1;
	s10 =	sld [smem:$0x3FB6]  }
0x3d: {  	_ =	shalt  }
0x3e: {  	_ =	shalt  }
0x3f: {  	_ =	shalt  }
0x40: {  	_ =	shalt  }
0x41: {  	_ =	shalt  }
0x42: {  	_ =	shalt  }
0x43: {  	_ =	shalt  }
0x44: {  	_ =	shalt  }
0x45: {  	_ =	shalt  }
0x46: {  	_ =	shalt  }
0x47: {  	_ =	shalt  }
0x48: {  	_ =	shalt  }
0x49: {  	_ =	shalt  }
0x4a: {  	_ =	shalt  }
0x4b: {  	_ =	shalt  }
0x4c: {  	_ =	shalt  }
0x4d: {  	_ =	shalt  }
0x4e: {  	_ =	shalt  }
0x4f: {  	_ =	shalt  }
0x50: {  	_ =	shalt  }
0x51: {  	_ =	shalt  }
0x52: {  	_ =	shalt  }
0x53: {  	_ =	shalt  }
0x54: {  	_ =	shalt  }
0x55: {  	_ =	shalt  }
0x56: {  	_ =	shalt  }
0x57: {  	_ =	shalt  }
0x58: {  	_ =	shalt  }
0x59: {  	_ =	shalt  }
0x5a: {  	_ =	shalt  }
0x5b: {  	_ =	shalt  }
0x5c: {  	_ =	shalt  }
0x5d: {  	_ =	shalt  }
0x5e: {  	_ =	shalt  }
0x5f: {  	_ =	shalt  }
0x60: {  	_ =	shalt  }
0x61: {  	_ =	shalt  }
0x62: {  	_ =	shalt  }
0x63: {  	_ =	shalt  }
0x64: {  	_ =	shalt  }
0x65: {  	_ =	shalt  }
0x66: {  	_ =	shalt  }
0x67: {  	_ =	shalt  }
0x68: {  	_ =	shalt  }
0x69: {  	_ =	shalt  }
0x6a: {  	_ =	shalt  }
0x6b: {  	_ =	shalt  }
0x6c: {  	_ =	shalt  }
0x6d: {  	_ =	shalt  }
0x6e: {  	_ =	shalt  }
0x6f: {  	_ =	shalt  }
0x70: {  	_ =	shalt  }
0x71: {  	_ =	shalt  }
0x72: {  	_ =	shalt  }
0x73: {  	_ =	shalt  }
0x74: {  	_ =	shalt  }
0x75: {  	_ =	shalt  }
0x76: {  	_ =	shalt  }
0x77: {  	_ =	shalt  }
0x78: {  	_ =	shalt  }
0x79: {  	_ =	shalt  }
0x7a: {  	_ =	shalt  }
0x7b: {  	_ =	shalt  }
0x7c: {  	_ =	shalt  }
0x7d: {  	_ =	shalt  }
0x7e: {  	_ =	shalt  }
0x7f: {  	_ =	shalt  }
0x80: {  	_ =	shalt  }
0x81: {  	_ =	shalt  }
0x82: {  	_ =	shalt  }
0x83: {  	_ =	shalt  }
0x84: {  	_ =	shalt  }
0x85: {  	_ =	shalt  }
0x86: {  	_ =	shalt  }
0x87: {  	_ =	shalt  }
.Lfunc_end0:
.L_simem_size_0:
called_computation_lowered:
.L_overlay_start_0:
0x88: {  	s2 =	sld [smem:$0x3FD9]  }
0x89: {  	s3 =	sld [smem:$0x3FFE];
	_ =	sdelay $0x1  }
0x8a: {  	s1 =	srdreg.scid  }
0x8b: {  	s0 =	sand.u32 $0x1, s1  }
0x8c: {  	s14 =	sshll.u32 s0, $0xA;
	s2 =	sadd.s32 s3, s2  }
0x8d: {  	s2 =	sadd.s32 s2, s14  }
0x8e: {  	[smem:$0x3FC2] =	sst s2  }
0x8f: {  	_ = 	snop  }
0x90: {  	s2 =	sld [smem:$0x3FD0];
	_ =	sdelay $0x2  }
0x91: {  	s15 =	simm.s32 $0xA;
	s4 =	simm.s32 $0x10  }
0x92: {  	[smem:s4], [sflag:s15] =	dma.local [hbm:s2], $0x1  }
0x93: {  	_ =	swait.eq [sflag:s15], $0x1  }
0x94: {  	[sflag:s15] =	ssyncset.done $0x0  }
0x95: {  	[sflag:s15] =	ssyncadd.s32 $0xFFFFFFFF  }
0x96: {  	s16 =	sld [smem:$0x10];
	(tm) =	ssettm $0x1  }
0x97: {  	s17 =	sld [smem:$0x3FFB];
	_ =	sdelay $0x3  }
0x98: {  	_ =	strace s17  }
0x99: {  	s3 =	sld [smem:$0x3FFC];
	_ =	sdelay $0x3  }
0x9a: {  	_ =	strace s3  }
0x9b: {  	s3 =	sld [smem:$0x3FFD];
	_ =	sdelay $0x3  }
0x9c: {  	_ =	strace s3  }
0x9d: {  	_ =	strace $0x8FFFFFFF  }
0x9e: {  	s18 =	sld [smem:$0x3FDB];
	_ =	sdelay $0x1  }
0x9f: {  	s19 =	simm.s32 $_scs_section_size  }
0xa0: {  	s5 =	simm.s32 $_size__tile_overlayer_lowered;
	s6 =	simm.s32 $_tile_overlayer_lowered  }
0xa1: {  	s22 =	simm.s32 $0x1BFF;
	s21 =	sshll.u32 s6, $0x1;
	s3 =	sadd.s32 s19, s18  }
0xa2: {  	s7 =	simm.s32 $0x0;
	s20 =	sshll.u32 s5, $0x1;
	s5 =	sadd.s32 s21, s3  }
0xa3: {  	[timem:s7], [sflag:s22] =	dma.local [hbm:s5], s20  }
0xa4: {  	_ =	swait.ge [sflag:s22], s20  }
0xa5: {  	s4 =	ssub.s32 $0x0, s20;
	[sflag:s22] =	ssyncset.done $0x0  }
0xa6: {  	[sflag:s22] =	ssyncadd.s32 s4;
	_ =	sdelay $0x1  }
0xa7: {  	s23 =	simm.s32 $0x1B8B  }
0xa8: {  	_ =	swait.ge [sflag:s23], $0x1  }
0xa9: {  	[sflag:s23] =	ssyncset.done $0x0  }
0xaa: {  	s25 =	simm.s32 $0x1B8E;
	s24 =	sld [smem:$0x3FFE];
	[sflag:s23] =	ssyncadd.s32 $0xFFFFFFFF  }
0xab: {  	s26 =	simm.s32 $execute0_lowered;
	[smem:$0x3FD2] =	sst s25  }
0xac: {  	s5 =	sshll.u32 s26, $0x1;
	_ =	strace $0x80000046;
	[dreg:$0x1] =	wrdreg $0xFFFFFFFF  }
0xad: {  	s28 =	simm.s32 $_size_execute0_lowered;
	s3 =	sadd.s32 s3, s5;
	[dreg:$0x0] =	wrdreg $0x0  }
0xae: {  	s5 =	sshll.u32 s28, $0x1;
	[dreg:$0x2] =	wrdreg s3  }
0xaf: {  	[dreg:$0x3] =	wrdreg s5  }
0xb0: {  	[dreg:$0x4] =	wrdreg $0xC0  }
0xb1: {  	_ =	task [dreg:s7], $0x5FFFF  }
0xb2: {  	[dreg:$0x1] =	wrdreg $0xFFFFFFFF  }
0xb3: {  	[dreg:$0x0] =	wrdreg $0x60  }
0xb4: {  	[dreg:$0x2] =	wrdreg s24  }
0xb5: {  	[dreg:$0x3] =	wrdreg s16  }
0xb6: {  	[dreg:$0x4] =	wrdreg $0x9  }
0xb7: {  	_ =	task.clear_ibuf [dreg:s7], $0x5FFFF;
	_ =	strace $0x90000046  }
0xb8: {  	s29 =	simm.s32 $0x9;
	_ =	strace $0x80000048  }
0xb9: {  	_ =	swait.ge [sflag:s29], $0x1  }
0xba: {  	[sflag:s29] =	ssyncadd.s32 $0xFFFFFFFF  }
0xbb: {  	_ =	strace $0x90000048  }
0xbc: {  	_ =	sfence  }
0xbd: {  	s30 =	sld [smem:$0x0];
	_ =	sdelay $0x2  }
0xbe: {  	s31 =	sshll.u32 s1, $0xD;
	s1 =	sshrl.u32 s1, $0x2  }
0xbf: {  	s3 =	sand.u32 $0x4000, s31;
	s1 =	sadd.s32 s1, s30  }
0xc0: {  	s0 =	sor.u32 s3, s0;
	s1 =	sshll.u32 s1, $0x11  }
0xc1: {  	s0 =	sor.u32 s1, s0  }
0xc2: {  	s0 =	sadd.s32 $0x8F2B, s0  }
0xc3: {  	[sflag:s0] =	ssyncadd.remote.s32 $0x1  }
0xc4: {  	_ =	sfence.sel $0xFFFF  }
0xc5: {  	[dreg:$0x0] =	wrdreg $0xFFFFFFFF;
	(pc) =	sbr.abs _section_cstart, $3  }
0xc6: {  	[dreg:$0x1] =	wrdreg $0xFFFFFFFF  }
0xc7: {  	_ =	task.clear_ibuf [dreg:s7], $0x2FFFF;
	_ =	strace $0x9FFFFFFF  }
0xc8: {  	(tm) =	ssettm $0x7FFFFFFF  }
0xc9: {  	_ =	shalt  }
tec
execute0_lowered:
.L_overlay_start_1:
0x0: {  	(tag) =	ssettag $0x1  }
0x1: {  	s4 =	rddreg [dreg:$0x0]  }
0x2: {  	s1 =	rddreg [dreg:$0x1]  }
0x3: {  	s0 =	rddreg [dreg:$0x2]  }
0x4: {  	s3 =	simm.s32 $0x0;
	s5 =	srdreg.scid;
	s2 =	stileid.u32  }
0x5: {  	s12 =	simm.s32 $0x100;
	s13 =	simm.s32 $0x4100;
	s14 =	simm.s32 $0x1  }
0x6: {  	s15 =	simm.s32 $0x900;
	s16 =	simm.s32 $0x1100;
	s17 =	simm.s32 $0x1900  }
0x7: {  	s18 =	simm.s32 $0x2100;
	s19 =	simm.s32 $0x2900;
	s20 =	simm.s32 $0x3100  }
0x8: {  	s21 =	simm.s32 $0x3900;
	s22 =	simm.s32 $0x2;
	s23 =	simm.s32 $0x4900  }
0x9: {  	s24 =	simm.s32 $0x5100;
	s28 =	simm.s32 $0x6900;
	s29 =	simm.s32 $0x7100  }
0xa: {  	s30 =	simm.s32 $0x7900;
	[smem:$0x7FF] =	sst s3;
	s5 =	sand.u32 $0x1, s5  }
0xb: {  	s7 =	sadd.s32 $0x1A00, s4;
	s6 =	sshll.u32 s2, $0x7;
	s8 =	sshll.u32 s5, $0x6  }
0xc: {  	s9 =	sadd.s32 $0x21A00, s4;
	s25 =	ssub.s32 $0x2, s5;
	s6 =	sor.u32 s8, s6  }
0xd: {  	_ =	strace $0x80000047;
	s5 =	sshrl.u32 s25, $0x1;
	s8 =	sshrl.u32 s6, $0x3  }
0xe: {  	s10 =	sor.u32 $0x20, s6;
	s11 =	ssub.s32 s25, s5;
	s6 =	sshll.u32 s6, $0x6  }
0xf: {  	s25 =	simm.s32 $0x5900;
	s4 =	sadd.s32 s9, s8;
	s26 =	sshrl.u32 s10, $0x3  }
0x10: {  	v2 =	vlaneseq.u32;
	s31 =	sshll.u32 s10, $0x6;
	s6 =	sadd.s32 s7, s6;
	s8 =	sadd.s32 $0x100, s1  }
0x11: {  	vm0 =	vmmov $0xffff;
	v1 =	vshrl.u32 v2, $0x3;
	s10 =	simm.s32 $0x3;
	s5 =	sadd.s32 s9, s26;
	s7 =	sadd.s32 s7, s31  }
0x12: {  	v0 =	vand.u32 $0x7, v2;
	v2 =	vor.u32 $0x8, v2;
	v1 =	vmul.u32 $0x8, v1;
	s9 =	smax.u32 s11, $0x1;
	s11 =	simm.s32 $0x80;
	s26 =	simm.s32 $0x6100  }
.LBB2_1:
0x13: {  	[tilespmem:s3], [sflag:$0x3] =	stream.linear.gather [hbm4b:s4+s3], $0x20, $0x38;
	[tilespmem:$0x8100] =	vst v63  }
0x14: {  	_ =	swait.ge [sflag:s10], $0x20  }
0x15: {  	[sflag:s10] =	ssyncset.done $0x0  }
0x16: {  	[sflag:s10] =	ssyncadd.s32 $0xFFFFFFE0  }
0x17: {  	[tilespmem:s11], [sflag:$0x3] =	stream.linear.gather [hbm4b:s5+s3], $0x20, $0x38;
	[tilespmem:$0x8100] =	vst v63  }
0x18: {  	_ =	swait.ge [sflag:s10], $0x20  }
0x19: {  	[sflag:s10] =	ssyncset.done $0x0  }
0x1a: {  	[sflag:s10] =	ssyncadd.s32 $0xFFFFFFE0  }
0x1b: {  	[tilespmem:s12], [sflag:$0x1] =	stream.linear.gather [hbm4b:s6+s3], $0x4000, $0x38;
	[tilespmem:$0x8100] =	vst v63  }
0x1c: {  	_ = 	snop  }
0x1d: {  	[tilespmem:s13], [sflag:$0x2] =	stream.linear.gather [hbm4b:s7+s3], $0x4000, $0x38;
	[tilespmem:$0x8100] =	vst v63  }
0x1e: {  	_ =	swait.ge [sflag:s14], $0x4000  }
0x1f: {  	[sflag:s14] =	ssyncset.done $0x0  }
0x20: {  	[sflag:s14] =	ssyncadd.s32 $0xFFFFC000  }
0x21: {  	v3 =	vld [tilespmem:$0x0];
	_ =	sdelay $0x4  }
0x22: {  	v4 =	vshll.u32 v3, $0x2  }
0x23: {  	v3 =	vand.u32 $0x7, v3;
	v4 =	vand.u32 $0xFFFFFFE0, v4  }
0x24: {  	v3 =	vor.u32 v3, v4  }
0x25: {  	v4 =	vperm.xlane v3, v0;
	_ =	sdelay $0x1  }
0x26: {  	v4 =	vadd.s32 v1, v4;
	_ =	sdelay $0x1  }
0x27: {  	v3 =	vperm.xlane v3, v2;
	_ =	sdelay $0x1  }
0x28: {  	v3 =	vadd.s32 v1, v3  }
0x29: {  	[hbm4b:s1+s3] =	stream.indirect_vreg.scatter [tilespmem:s12], [sflag:$0x1], $0x80, v4, vm0, $0xb8;
	[tilespmem:$0x8100] =	vst v63  }
0x2a: {  	_ = 	snop  }
0x2b: {  	[hbm4b:s8+s3] =	stream.indirect_vreg.scatter [tilespmem:s15], [sflag:$0x1], $0x80, v4, vm0, $0xb8;
	[tilespmem:$0x8100] =	vst v63  }
0x2c: {  	_ = 	snop  }
0x2d: {  	[hbm4b:s1+s3] =	stream.indirect_vreg.scatter [tilespmem:s16], [sflag:$0x1], $0x80, v3, vm0, $0xb8;
	[tilespmem:$0x8100] =	vst v63  }
0x2e: {  	_ = 	snop  }
0x2f: {  	[hbm4b:s8+s3] =	stream.indirect_vreg.scatter [tilespmem:s17], [sflag:$0x1], $0x80, v3, vm0, $0xb8;
	[tilespmem:$0x8100] =	vst v63  }
0x30: {  	v3 =	vld [tilespmem:$0x10];
	_ =	sdelay $0x4  }
0x31: {  	v61 =	vshll.u32 v3, $0x2  }
0x32: {  	v3 =	vand.u32 $0x7, v3;
	v4 =	vand.u32 $0xFFFFFFE0, v61  }
0x33: {  	v3 =	vor.u32 v3, v4  }
0x34: {  	v4 =	vperm.xlane v3, v0;
	_ =	sdelay $0x1  }
0x35: {  	v4 =	vadd.s32 v1, v4;
	_ =	sdelay $0x1  }
0x36: {  	v3 =	vperm.xlane v3, v2;
	_ =	sdelay $0x1  }
0x37: {  	v3 =	vadd.s32 v1, v3  }
0x38: {  	[hbm4b:s1+s3] =	stream.indirect_vreg.scatter [tilespmem:s18], [sflag:$0x1], $0x80, v4, vm0, $0xb8;
	[tilespmem:$0x8100] =	vst v63  }
0x39: {  	_ = 	snop  }
0x3a: {  	[hbm4b:s8+s3] =	stream.indirect_vreg.scatter [tilespmem:s19], [sflag:$0x1], $0x80, v4, vm0, $0xb8;
	[tilespmem:$0x8100] =	vst v63  }
0x3b: {  	_ = 	snop  }
0x3c: {  	[hbm4b:s1+s3] =	stream.indirect_vreg.scatter [tilespmem:s20], [sflag:$0x1], $0x80, v3, vm0, $0xb8;
	[tilespmem:$0x8100] =	vst v63  }
0x3d: {  	_ = 	snop  }
0x3e: {  	[hbm4b:s8+s3] =	stream.indirect_vreg.scatter [tilespmem:s21], [sflag:$0x1], $0x80, v3, vm0, $0xb8;
	[tilespmem:$0x8100] =	vst v63  }
0x3f: {  	_ =	swait.ge [sflag:s22], $0x4000  }
0x40: {  	[sflag:s22] =	ssyncset.done $0x0  }
0x41: {  	[sflag:s22] =	ssyncadd.s32 $0xFFFFC000  }
0x42: {  	v3 =	vld [tilespmem:$0x80];
	_ =	sdelay $0x4  }
0x43: {  	v62 =	vshll.u32 v3, $0x2  }
0x44: {  	v3 =	vand.u32 $0x7, v3;
	v4 =	vand.u32 $0xFFFFFFE0, v62  }
0x45: {  	v3 =	vor.u32 v3, v4  }
0x46: {  	v4 =	vperm.xlane v3, v0;
	_ =	sdelay $0x1  }
0x47: {  	v4 =	vadd.s32 v1, v4;
	_ =	sdelay $0x1  }
0x48: {  	v3 =	vperm.xlane v3, v2;
	_ =	sdelay $0x1  }
0x49: {  	v3 =	vadd.s32 v1, v3  }
0x4a: {  	[hbm4b:s1+s3] =	stream.indirect_vreg.scatter [tilespmem:s13], [sflag:$0x2], $0x80, v4, vm0, $0xb8;
	[tilespmem:$0x8100] =	vst v63  }
0x4b: {  	_ = 	snop  }
0x4c: {  	[hbm4b:s8+s3] =	stream.indirect_vreg.scatter [tilespmem:s23], [sflag:$0x2], $0x80, v4, vm0, $0xb8;
	[tilespmem:$0x8100] =	vst v63  }
0x4d: {  	_ = 	snop  }
0x4e: {  	[hbm4b:s1+s3] =	stream.indirect_vreg.scatter [tilespmem:s24], [sflag:$0x2], $0x80, v3, vm0, $0xb8;
	[tilespmem:$0x8100] =	vst v63  }
0x4f: {  	_ = 	snop  }
0x50: {  	[hbm4b:s8+s3] =	stream.indirect_vreg.scatter [tilespmem:s25], [sflag:$0x2], $0x80, v3, vm0, $0xb8;
	[tilespmem:$0x8100] =	vst v63  }
0x51: {  	v3 =	vld [tilespmem:$0x90];
	_ =	sdelay $0x4  }
0x52: {  	v63 =	vshll.u32 v3, $0x2  }
0x53: {  	v3 =	vand.u32 $0x7, v3;
	v4 =	vand.u32 $0xFFFFFFE0, v63  }
0x54: {  	v3 =	vor.u32 v3, v4  }
0x55: {  	v4 =	vperm.xlane v3, v0;
	_ =	sdelay $0x1  }
0x56: {  	v4 =	vadd.s32 v1, v4;
	_ =	sdelay $0x1  }
0x57: {  	v3 =	vperm.xlane v3, v2;
	_ =	sdelay $0x1  }
0x58: {  	v3 =	vadd.s32 v1, v3  }
0x59: {  	[hbm4b:s1+s3] =	stream.indirect_vreg.scatter [tilespmem:s26], [sflag:$0x2], $0x80, v4, vm0, $0xb8;
	[tilespmem:$0x8100] =	vst v63  }
0x5a: {  	_ = 	snop  }
0x5b: {  	[hbm4b:s8+s3] =	stream.indirect_vreg.scatter [tilespmem:s28], [sflag:$0x2], $0x80, v4, vm0, $0xb8;
	[tilespmem:$0x8100] =	vst v63  }
0x5c: {  	_ = 	snop  }
0x5d: {  	[hbm4b:s1+s3] =	stream.indirect_vreg.scatter [tilespmem:s29], [sflag:$0x2], $0x80, v3, vm0, $0xb8;
	[tilespmem:$0x8100] =	vst v63  }
0x5e: {  	_ = 	snop  }
0x5f: {  	[hbm4b:s8+s3] =	stream.indirect_vreg.scatter [tilespmem:s30], [sflag:$0x2], $0x80, v3, vm0, $0xb8;
	[tilespmem:$0x8100] =	vst v63  }
0x60: {  	p0 =	sne.s32 s9, $0x1;
	_ =	swait.ge [sflag:s14], $0x4000  }
.Ltmp0:
0x61: {  	[sflag:s14] =	ssyncset.done $0x0;
	(pc) =	sbr.rel @p0 .LBB2_1-.Ltmp0, $4  }
0x62: {  	[sflag:s14] =	ssyncadd.s32 $0xFFFFC000  }
0x63: {  	_ =	swait.ge [sflag:s22], $0x4000  }
0x64: {  	[sflag:s22] =	ssyncset.done $0x0  }
0x65: {  	s9 =	sadd.s32 $0xFFFFFFFF, s9;
	[sflag:s22] =	ssyncadd.s32 $0xFFFFC000  }
0x66: {  	_ =	sfence.sel $0x180000  }
0x67: {  	[bflag:$0x0] =	sbarrier.arrive $0xFFFF  }
0x68: {  	p0 =	sne.s32 s2, $0x0;
	_ =	strace $0x90000047  }
0x69: {  	s0 =	sadd.s32 @!p0 $0x100000, s0;
	[bflag:$0x2] =	sbarrier.arrive $0xFFFF  }
0x6a: {  	[sflag:s0] =	ssyncadd.tile.s32 @!p0 $0x1;
	_ =	shalt  }
.Lfunc_end2:
_tile_overlayer_lowered:
.L_overlay_start_2:
0x6b: {  	(tag) =	ssettag $0x2  }
0x6c: {  	s0 =	rddreg [dreg:$0x0];
	s2 =	stileid.u32  }
0x6d: {  	s1 =	rddreg [dreg:$0x1];
	p0 =	sne.s32 s2, $0x0  }
0x6e: {  	s3 =	rddreg [dreg:$0x2];
	[bflag:$0x3] =	sbarrier.arrive $0xFFFF;
	s2 =	simm.s32 @!p0 $0x1C03  }
0x6f: {  	[timem:s3], [sflag:s2] =	dma.local @!p0 [hbm:s0], s1  }
0x70: {  	s0 =	simm.s32 @!p0 $0x3  }
0x71: {  	_ =	swait.ge @!p0 [sflag:s0], s1  }
0x72: {  	s1 =	ssub.s32 @!p0 $0x0, s1;
	[sflag:s0] =	ssyncset.done @!p0 $0x0  }
0x73: {  	[sflag:s0] =	ssyncadd.s32 @!p0 s1  }
0x74: {  	[bflag:$0x3] =	sbarrier.arrive $0xFFFF  }
0x75: {  	_ =	shalt  }

</sc_bundles>
